<compile_context>
chip_gen: v7x
topology: tpu7x:2x2x1
jax: 0.10.2.dev20260603
libtpu: 0.0.44.dev20260713+nightly
codegen_flags: <defaults>
</compile_context>

<pallas_src>
import functools

import jax
import jax.numpy as jnp
from jax.experimental import pallas as pl
from jax.experimental.pallas import tpu as pltpu

_N = 349184
_NC = 16
_K = max(int(_N * 0.01), 2)
_F = _N * _NC // 128
_NB = 11
_BF = _F // _NB
_NR = _N // 128


def _dense_body(t_ref, s_ref, cent_ref, sc_ref, joint_ref, delta_ref, acc_ref):
    t = t_ref[...]
    s = s_ref[...]
    cent = cent_ref[...]

    es = jnp.exp(-jnp.abs(s))
    inv_s = 1.0 / (1.0 + es)
    s_sig = jnp.where(s >= 0, inv_s, 1.0 - inv_s)
    t_sig = jax.nn.sigmoid(t)
    sp_s = jnp.log1p(es) + jnp.maximum(s, 0.0)

    ln = sp_s * (s_sig * s_sig)
    d = t_sig - s_sig
    lp = (sp_s - t_sig * s) * (d * d)

    y = jnp.maximum(t_sig, pltpu.roll(t_sig, 127, 1))
    y = jnp.maximum(y, pltpu.roll(y, 126, 1))
    y = jnp.maximum(y, pltpu.roll(y, 124, 1))
    y = jnp.maximum(y, pltpu.roll(y, 120, 1))

    lanes = jax.lax.broadcasted_iota(jnp.int32, (128, 8), 0)
    groups = jax.lax.broadcasted_iota(jnp.int32, (128, 8), 1)
    extract = (lanes == groups * 16).astype(jnp.float32)
    segsum = (lanes // 16 == groups).astype(jnp.float32)

    sc = jax.lax.dot(y, extract, preferred_element_type=jnp.float32,
                     precision=jax.lax.Precision.HIGHEST)
    sc_ref[...] = sc
    inv_c = 1.0 / (1.0 + jnp.exp(-jnp.abs(cent)))
    c_sig = jnp.where(cent >= 0, inv_c, 1.0 - inv_c)
    joint_ref[...] = c_sig * sc
    delta_ref[...] = jax.lax.dot(lp - ln, segsum,
                                 preferred_element_type=jnp.float32)

    @pl.when(pl.program_id(0) == 0)
    def _():
        acc_ref[0, 0] = 0.0
        acc_ref[0, 1] = 0.0

    acc_ref[0, 0] += jnp.sum(ln)
    acc_ref[0, 1] += jnp.sum(sc)


def _dense_pass(t_cls, s_cls, t_cent):
    return pl.pallas_call(
        _dense_body,
        grid=(_NB,),
        in_specs=[
            pl.BlockSpec((_BF, 128), lambda i: (i, 0)),
            pl.BlockSpec((_BF, 128), lambda i: (i, 0)),
            pl.BlockSpec((_BF, 8), lambda i: (i, 0)),
        ],
        out_specs=[
            pl.BlockSpec((_BF, 8), lambda i: (i, 0)),
            pl.BlockSpec((_BF, 8), lambda i: (i, 0)),
            pl.BlockSpec((_BF, 8), lambda i: (i, 0)),
            pl.BlockSpec(memory_space=pltpu.SMEM),
        ],
        out_shape=[
            jax.ShapeDtypeStruct((_F, 8), jnp.float32),
            jax.ShapeDtypeStruct((_F, 8), jnp.float32),
            jax.ShapeDtypeStruct((_F, 8), jnp.float32),
            jax.ShapeDtypeStruct((1, 2), jnp.float32),
        ],
    )(t_cls.reshape(_F, 128), s_cls.reshape(_F, 128), t_cent.reshape(_F, 8))


def _bisect_body(v_ref, d_ref, out_ref):
    bits = jax.lax.bitcast_convert_type(v_ref[...], jnp.int32)

    def step(_, carry):
        lo, hi = carry
        mid = (lo + hi) // 2
        cnt = jnp.sum((bits > mid).astype(jnp.int32))
        go_hi = cnt <= _K - 1
        return (jnp.where(go_hi, lo, mid + 1), jnp.where(go_hi, mid, hi))

    lo0 = jnp.int32(0)
    hi0 = jnp.int32(0x3F800000)
    _, tb = jax.lax.fori_loop(0, 31, step, (lo0, hi0))
    cnt_gt = jnp.sum((bits > tb).astype(jnp.int32))
    tf = jax.lax.bitcast_convert_type(tb, jnp.float32)
    v = v_ref[...]
    d = d_ref[...]
    gt = v > tf
    eq = v == tf
    sum_gt = jnp.sum(jnp.where(gt, v, 0.0))
    ties = (_K - cnt_gt).astype(jnp.float32)
    cnt_eq = jnp.sum(eq.astype(jnp.float32))
    s1 = jnp.sum(jnp.where(gt, d, 0.0))
    s2 = jnp.sum(jnp.where(eq, d, 0.0))
    out_ref[0, 0] = tf
    out_ref[0, 1] = jax.lax.bitcast_convert_type(cnt_gt, jnp.float32)
    out_ref[0, 2] = sum_gt + tf * ties
    out_ref[0, 3] = s1 + s2 * ties / jnp.maximum(cnt_eq, 1.0)


def _bisect(scores_flat, delta_flat):
    return pl.pallas_call(
        _bisect_body,
        in_specs=[pl.BlockSpec((_NR, 128), lambda: (0, 0)),
                  pl.BlockSpec((_NR, 128), lambda: (0, 0))],
        out_specs=pl.BlockSpec(memory_space=pltpu.SMEM),
        out_shape=jax.ShapeDtypeStruct((1, 4), jnp.float32),
    )(scores_flat, delta_flat)


def _box2corners(box):
    x, y, w, h, a = (box[..., i] for i in range(5))
    dx = jnp.array([0.5, -0.5, -0.5, 0.5], dtype=box.dtype) * w[..., None]
    dy = jnp.array([0.5, 0.5, -0.5, -0.5], dtype=box.dtype) * h[..., None]
    c = jnp.cos(a)[..., None]
    s = jnp.sin(a)[..., None]
    return jnp.stack([c * dx - s * dy + x[..., None],
                      s * dx + c * dy + y[..., None]], axis=-1)


def _edge_intersections(c1, c2):
    P = c1.shape[0]
    p1 = c1[:, :, None, :]
    r = (jnp.roll(c1, -1, axis=1) - c1)[:, :, None, :]
    q1 = c2[:, None, :, :]
    s = (jnp.roll(c2, -1, axis=1) - c2)[:, None, :, :]
    den = r[..., 0] * s[..., 1] - r[..., 1] * s[..., 0]
    qp = q1 - p1
    t_num = qp[..., 0] * s[..., 1] - qp[..., 1] * s[..., 0]
    u_num = qp[..., 0] * r[..., 1] - qp[..., 1] * r[..., 0]
    safe = jnp.where(jnp.abs(den) > 1e-12, den, 1.0)
    t = t_num / safe
    u = u_num / safe
    valid = (jnp.abs(den) > 1e-12) & (t > 0) & (t < 1) & (u > 0) & (u < 1)
    pts = p1 + t[..., None] * r
    pts = jnp.where(valid[..., None], pts, 0.0)
    return pts.reshape(P, 16, 2), valid.reshape(P, 16)


def _points_in_box(pts, corners):
    a = corners[:, 0:1, :]
    ab = corners[:, 1:2, :] - a
    ad = corners[:, 3:4, :] - a
    ap = pts - a
    pab = (ap * ab).sum(-1)
    pad = (ap * ad).sum(-1)
    ab2 = (ab * ab).sum(-1)
    ad2 = (ad * ad).sum(-1)
    e = 1e-6
    return (pab > -e) & (pab < ab2 + e) & (pad > -e) & (pad < ad2 + e)


def _rotated_iou(b1, b2):
    c1 = _box2corners(b1)
    c2 = _box2corners(b2)
    ipts, ival = _edge_intersections(c1, c2)
    m1 = _points_in_box(c1, c2)
    m2 = _points_in_box(c2, c1)
    verts = jnp.concatenate([ipts, c1, c2], axis=1)
    mask = jnp.concatenate([ival, m1, m2], axis=1)
    nv = jnp.maximum(mask.sum(-1), 1)
    center = (verts * mask[..., None]).sum(1) / nv[..., None].astype(verts.dtype)
    rel = verts - center[:, None, :]
    ang = jnp.where(mask, jnp.arctan2(rel[..., 1], rel[..., 0]), 1e8)
    order = jnp.argsort(ang, axis=1)
    rel_s = jnp.take_along_axis(rel, order[..., None], axis=1)
    mask_s = jnp.take_along_axis(mask, order, axis=1)
    rel_p = jnp.where(mask_s[..., None], rel_s, rel_s[:, 0:1, :])
    nxt = jnp.roll(rel_p, -1, axis=1)
    cross = rel_p[..., 0] * nxt[..., 1] - rel_p[..., 1] * nxt[..., 0]
    inter = 0.5 * jnp.abs(cross.sum(-1))
    a1 = jnp.abs(b1[..., 2] * b1[..., 3])
    a2 = jnp.abs(b2[..., 2] * b2[..., 3])
    union = jnp.maximum(a1 + a2 - inter, 1e-12)
    return inter / union


def _bce(p, t):
    p = jnp.clip(p, 1e-12, 1.0 - 1e-12)
    return -(t * jnp.log(p) + (1.0 - t) * jnp.log(1.0 - p))


def kernel(t_cls_scores, t_bbox_preds, t_centernesses, s_cls_scores,
           s_bbox_preds, s_centernesses):
    sc8, joint8, delta8, acc = _dense_pass(t_cls_scores, s_cls_scores,
                                           t_centernesses)
    t_scores = sc8.reshape(_N)
    t_joint_scores = joint8.reshape(_N)
    delta = delta8.reshape(_N)
    neg_sum = acc[0, 0]
    S_dps = acc[0, 1] / _N

    th = _bisect(t_scores.reshape(_NR, 128), delta.reshape(_NR, 128))
    fg_num = th[0, 2]
    _pv, pos_inds = jax.lax.top_k(t_scores, _K)
    loss_cls_sum = neg_sum + th[0, 3]

    s_bbox_pos = s_bbox_preds[pos_inds]
    t_bbox_pos = t_bbox_preds[pos_inds]
    ious = jnp.maximum(_rotated_iou(s_bbox_pos, t_bbox_pos), 1e-6)
    loss_bbox = -jnp.log(ious)
    t_cent_pos = jax.nn.sigmoid(t_centernesses[pos_inds])
    s_cent_pos = jax.nn.sigmoid(s_centernesses[pos_inds])
    loss_centerness = _bce(s_cent_pos, t_cent_pos)
    unsup_loss_cls = loss_cls_sum / fg_num
    unsup_loss_bbox = (loss_bbox * t_cent_pos).mean()
    unsup_loss_centerness = loss_centerness.mean()
    return (unsup_loss_cls, unsup_loss_bbox, unsup_loss_centerness, S_dps,
            t_joint_scores)

# --- scband reference (transcript-rebuilt; emitter-appended) ---
"""Pipeline reference for scband-rotated-sparse-dtblloss-58909771432171 (READ-ONLY COPY).

The authoritative reference and input builder live on the scoring server;
editing this copy changes nothing except your own understanding.
"""

import jax, jax.numpy as jnp
import numpy as np

N = 349184
NC = 16
TOPK = max(int(N * 0.01), 2)


def setup_inputs(seed: int = 0):
    key = jax.random.key(seed)
    ks = jax.random.split(key, 6)
    return {
        "t_cls_scores": jax.random.normal(ks[0], (N, NC), dtype=jnp.float32),
        "t_bbox_preds": jax.random.uniform(ks[1], (N, 5), dtype=jnp.float32),
        "t_centernesses": jax.random.normal(ks[2], (N,), dtype=jnp.float32),
        "s_cls_scores": jax.random.normal(ks[3], (N, NC), dtype=jnp.float32),
        "s_bbox_preds": jax.random.uniform(ks[4], (N, 5), dtype=jnp.float32),
        "s_centernesses": jax.random.normal(ks[5], (N,), dtype=jnp.float32),
    }


def _bce(p, t):
    p = jnp.clip(p, 1e-12, 1.0 - 1e-12)
    return -(t * jnp.log(p) + (1.0 - t) * jnp.log(1.0 - p))


def _box2corners(box):
    x, y, w, h, a = (box[..., i] for i in range(5))
    dx = jnp.array([0.5, -0.5, -0.5, 0.5], dtype=box.dtype) * w[..., None]
    dy = jnp.array([0.5, 0.5, -0.5, -0.5], dtype=box.dtype) * h[..., None]
    c = jnp.cos(a)[..., None]
    s = jnp.sin(a)[..., None]
    return jnp.stack([c * dx - s * dy + x[..., None], s * dx + c * dy + y[..., None]], axis=-1)


def _edge_intersections(c1, c2):
    P = c1.shape[0]
    p1 = c1[:, :, None, :]
    r = (jnp.roll(c1, -1, axis=1) - c1)[:, :, None, :]
    q1 = c2[:, None, :, :]
    s = (jnp.roll(c2, -1, axis=1) - c2)[:, None, :, :]
    den = r[..., 0] * s[..., 1] - r[..., 1] * s[..., 0]
    qp = q1 - p1
    t_num = qp[..., 0] * s[..., 1] - qp[..., 1] * s[..., 0]
    u_num = qp[..., 0] * r[..., 1] - qp[..., 1] * r[..., 0]
    safe = jnp.where(jnp.abs(den) > 1e-12, den, 1.0)
    t = t_num / safe
    u = u_num / safe
    valid = (jnp.abs(den) > 1e-12) & (t > 0) & (t < 1) & (u > 0) & (u < 1)
    pts = p1 + t[..., None] * r
    pts = jnp.where(valid[..., None], pts, 0.0)
    return pts.reshape(P, 16, 2), valid.reshape(P, 16)


def _points_in_box(pts, corners):
    a = corners[:, 0:1, :]
    ab = corners[:, 1:2, :] - a
    ad = corners[:, 3:4, :] - a
    ap = pts - a
    pab = (ap * ab).sum(-1)
    pad = (ap * ad).sum(-1)
    ab2 = (ab * ab).sum(-1)
    ad2 = (ad * ad).sum(-1)
    e = 1e-6
    return (pab > -e) & (pab < ab2 + e) & (pad > -e) & (pad < ad2 + e)


def _rotated_iou(b1, b2):
    c1 = _box2corners(b1)
    c2 = _box2corners(b2)
    ipts, ival = _edge_intersections(c1, c2)
    m1 = _points_in_box(c1, c2)
    m2 = _points_in_box(c2, c1)
    verts = jnp.concatenate([ipts, c1, c2], axis=1)
    mask = jnp.concatenate([ival, m1, m2], axis=1)
    nv = jnp.maximum(mask.sum(-1), 1)
    center = (verts * mask[..., None]).sum(1) / nv[..., None].astype(verts.dtype)
    rel = verts - center[:, None, :]
    ang = jnp.where(mask, jnp.arctan2(rel[..., 1], rel[..., 0]), 1e8)
    order = jnp.argsort(ang, axis=1)
    rel_s = jnp.take_along_axis(rel, order[..., None], axis=1)
    mask_s = jnp.take_along_axis(mask, order, axis=1)
    rel_p = jnp.where(mask_s[..., None], rel_s, rel_s[:, 0:1, :])
    nxt = jnp.roll(rel_p, -1, axis=1)
    cross = rel_p[..., 0] * nxt[..., 1] - rel_p[..., 1] * nxt[..., 0]
    inter = 0.5 * jnp.abs(cross.sum(-1))
    a1 = jnp.abs(b1[..., 2] * b1[..., 3])
    a2 = jnp.abs(b2[..., 2] * b2[..., 3])
    union = jnp.maximum(a1 + a2 - inter, 1e-12)
    return inter / union


def reference(t_cls_scores, t_bbox_preds, t_centernesses, s_cls_scores, s_bbox_preds, s_centernesses):
    # --- pseudoLabelSelection (torch.no_grad) ---
    t_cls_d = jax.lax.stop_gradient(t_cls_scores)
    t_cent_d = jax.lax.stop_gradient(t_centernesses)
    teacher_probs = jax.nn.sigmoid(t_cls_d)
    t_scores = teacher_probs.max(axis=1)
    t_joint_scores = jax.nn.sigmoid(t_cent_d).reshape(-1) * t_scores
    S_dps = t_scores.mean()
    pos_vals, pos_inds = jax.lax.top_k(t_scores, TOPK)
    _neg_vals, neg_inds = jax.lax.top_k(-t_scores, TOPK)
    mask = jnp.zeros_like(t_scores).at[pos_inds].set(1.0).at[neg_inds].set(-1.0)
    pos_mask = mask > 0.0
    fg_num = pos_vals.sum()
    # --- QFLv2 (beta=2, reduction='none') ---
    s_sig = jax.nn.sigmoid(s_cls_scores)
    t_sig = jax.nn.sigmoid(t_cls_scores)
    loss_neg = _bce(s_sig, jnp.zeros_like(s_sig)) * s_sig ** 2
    loss_pos = _bce(s_sig, t_sig) * (t_sig - s_sig) ** 2
    loss_cls = jnp.where(pos_mask[:, None], loss_pos, loss_neg)
    # --- RotatedIoULoss (mode='log', reduction='none') on positives ---
    s_bbox_pos = s_bbox_preds[pos_inds]
    t_bbox_pos = t_bbox_preds[pos_inds]
    ious = jnp.maximum(_rotated_iou(s_bbox_pos, t_bbox_pos), 1e-6)
    loss_bbox = -jnp.log(ious)
    t_cent_pos = jax.nn.sigmoid(t_centernesses[pos_inds])
    s_cent_pos = jax.nn.sigmoid(s_centernesses[pos_inds])
    loss_centerness = _bce(s_cent_pos, t_cent_pos)
    unsup_loss_cls = loss_cls.sum() / fg_num
    unsup_loss_bbox = (loss_bbox * t_cent_pos).mean()
    unsup_loss_centerness = loss_centerness.mean()
    return (unsup_loss_cls, unsup_loss_bbox, unsup_loss_centerness, S_dps, t_joint_scores)

if __name__ == "__main__":
    import jax
    _d = setup_inputs()
    print(jax.jit(kernel)(*tuple(_d.values())))

</pallas_src>

<mosaic_0001>
module attributes {stable_mosaic.version = 14 : i64} {
  func.func @_dense_body(%arg0: i32, %arg1: memref<3968x128xf32, #tpu.memory_space<vmem>>, %arg2: memref<3968x128xf32, #tpu.memory_space<vmem>>, %arg3: memref<3968x8xf32, #tpu.memory_space<vmem>>, %arg4: memref<3968x8xf32, #tpu.memory_space<vmem>>, %arg5: memref<3968x8xf32, #tpu.memory_space<vmem>>, %arg6: memref<3968x8xf32, #tpu.memory_space<vmem>>, %arg7: memref<1x2xf32, #tpu.memory_space<smem>>) attributes {dimension_semantics = [#tpu.dimension_semantics<arbitrary>], iteration_bounds = array<i64: 11>, scalar_prefetch = 0 : i64, scratch_operands = 0 : i64, tpu.core_type = #tpu.core_type<tc>, window_params = [{transform_indices = @transform_0, window_bounds = array<i64: 3968, 128>}, {transform_indices = @transform_1, window_bounds = array<i64: 3968, 128>}, {transform_indices = @transform_2, window_bounds = array<i64: 3968, 8>}, {transform_indices = @transform_3, window_bounds = array<i64: 3968, 8>}, {transform_indices = @transform_4, window_bounds = array<i64: 3968, 8>}, {transform_indices = @transform_5, window_bounds = array<i64: 3968, 8>}, {transform_indices = @transform_6, window_bounds = array<i64: 1, 2>}]} {
    %get3A = arith.constant 0 : index
    %get3A_0 = arith.constant 0 : index
    %get3A_1 = vector.load %arg1[%get3A, %get3A_0] : memref<3968x128xf32, #tpu.memory_space<vmem>>, vector<3968x128xf32>
    %get3A_2 = arith.constant 0 : index
    %get3A_3 = arith.constant 0 : index
    %get3A_4 = vector.load %arg2[%get3A_2, %get3A_3] : memref<3968x128xf32, #tpu.memory_space<vmem>>, vector<3968x128xf32>
    %get3A_5 = arith.constant 0 : index
    %get3A_6 = arith.constant 0 : index
    %get3A_7 = vector.load %arg3[%get3A_5, %get3A_6] : memref<3968x8xf32, #tpu.memory_space<vmem>>, vector<3968x8xf32>
    %abs3A = math.absf %get3A_4 : vector<3968x128xf32>
    %neg3A = arith.constant 0.000000e+00 : f32
    %neg3A_8 = vector.broadcast %neg3A : f32 to vector<3968x128xf32>
    %neg3A_9 = arith.subf %neg3A_8, %abs3A : vector<3968x128xf32>
    %exp3A = math.exp %neg3A_9 : vector<3968x128xf32>
    %add3A = arith.constant 1.000000e+00 : f32
    %add3A_10 = vector.broadcast %add3A : f32 to vector<3968x128xf32>
    %add3A_11 = arith.addf %add3A_10, %exp3A : vector<3968x128xf32>
    %div3A = arith.constant 1.000000e+00 : f32
    %div3A_12 = vector.broadcast %div3A : f32 to vector<3968x128xf32>
    %div3A_13 = arith.divf %div3A_12, %add3A_11 : vector<3968x128xf32>
    %ge3A = arith.constant 0.000000e+00 : f32
    %ge3A_14 = vector.broadcast %ge3A : f32 to vector<3968x128xf32>
    %ge3A_15 = arith.cmpf oge, %get3A_4, %ge3A_14 : vector<3968x128xf32>
    %sub3A = arith.constant 1.000000e+00 : f32
    %sub3A_16 = vector.broadcast %sub3A : f32 to vector<3968x128xf32>
    %sub3A_17 = arith.subf %sub3A_16, %div3A_13 : vector<3968x128xf32>
    %select_n3A = arith.select %ge3A_15, %div3A_13, %sub3A_17 : vector<3968x128xi1>, vector<3968x128xf32>
    %logistic3A = arith.negf %get3A_1 : vector<3968x128xf32>
    %logistic3A_18 = math.exp %logistic3A : vector<3968x128xf32>
    %logistic3A_19 = arith.constant 1.000000e+00 : f32
    %logistic3A_20 = vector.broadcast %logistic3A_19 : f32 to vector<3968x128xf32>
    %logistic3A_21 = arith.addf %logistic3A_20, %logistic3A_18 : vector<3968x128xf32>
    %logistic3A_22 = arith.divf %logistic3A_20, %logistic3A_21 : vector<3968x128xf32>
    %log1p3A = math.log1p %exp3A : vector<3968x128xf32>
    %max3A = arith.constant 0.000000e+00 : f32
    %max3A_23 = vector.broadcast %max3A : f32 to vector<3968x128xf32>
    %max3A_24 = arith.maximumf %get3A_4, %max3A_23 : vector<3968x128xf32>
    %add3A_25 = arith.addf %log1p3A, %max3A_24 : vector<3968x128xf32>
    %mul3A = arith.mulf %select_n3A, %select_n3A : vector<3968x128xf32>
    %mul3A_26 = arith.mulf %add3A_25, %mul3A : vector<3968x128xf32>
    %sub3A_27 = arith.subf %logistic3A_22, %select_n3A : vector<3968x128xf32>
    %mul3A_28 = arith.mulf %logistic3A_22, %get3A_4 : vector<3968x128xf32>
    %sub3A_29 = arith.subf %add3A_25, %mul3A_28 : vector<3968x128xf32>
    %mul3A_30 = arith.mulf %sub3A_27, %sub3A_27 : vector<3968x128xf32>
    %mul3A_31 = arith.mulf %sub3A_29, %mul3A_30 : vector<3968x128xf32>
    %roll3A = arith.constant 127 : i32
    %roll3A_32 = tpu.dynamic_rotate %logistic3A_22 by %roll3A dim 1 : vector<3968x128xf32>, i32 -> vector<3968x128xf32>
    %max3A_33 = arith.maximumf %logistic3A_22, %roll3A_32 : vector<3968x128xf32>
    %roll3A_34 = arith.constant 126 : i32
    %roll3A_35 = tpu.dynamic_rotate %max3A_33 by %roll3A_34 dim 1 : vector<3968x128xf32>, i32 -> vector<3968x128xf32>
    %max3A_36 = arith.maximumf %max3A_33, %roll3A_35 : vector<3968x128xf32>
    %roll3A_37 = arith.constant 124 : i32
    %roll3A_38 = tpu.dynamic_rotate %max3A_36 by %roll3A_37 dim 1 : vector<3968x128xf32>, i32 -> vector<3968x128xf32>
    %max3A_39 = arith.maximumf %max3A_36, %roll3A_38 : vector<3968x128xf32>
    %roll3A_40 = arith.constant 120 : i32
    %roll3A_41 = tpu.dynamic_rotate %max3A_39 by %roll3A_40 dim 1 : vector<3968x128xf32>, i32 -> vector<3968x128xf32>
    %max3A_42 = arith.maximumf %max3A_39, %roll3A_41 : vector<3968x128xf32>
    %iota3A = tpu.iota {dimensions = array<i32: 0>} : vector<128x8xi32>
    %iota3A_43 = tpu.iota {dimensions = array<i32: 1>} : vector<128x8xi32>
    %mul3A_44 = arith.constant 16 : i32
    %mul3A_45 = vector.broadcast %mul3A_44 : i32 to vector<128x8xi32>
    %mul3A_46 = arith.muli %iota3A_43, %mul3A_45 : vector<128x8xi32>
    %eq3A = arith.cmpi eq, %iota3A, %mul3A_46 : vector<128x8xi32>
    %convert_element_type3A = arith.extui %eq3A : vector<128x8xi1> to vector<128x8xi32>
    %convert_element_type3A_47 = arith.sitofp %convert_element_type3A : vector<128x8xi32> to vector<128x8xf32>
    %jit3A = arith.constant 16 : i32
    %div3A_48 = vector.broadcast %jit3A : i32 to vector<128x8xi32>
    %div3A_49 = arith.divsi %iota3A, %div3A_48 : vector<128x8xi32>
    %sign3A = arith.constant 0 : i32
    %sign3A_50 = vector.broadcast %sign3A : i32 to vector<128x8xi32>
    %sign3A_51 = arith.cmpi sgt, %iota3A, %sign3A_50 : vector<128x8xi32>
    %sign3A_52 = arith.extui %sign3A_51 : vector<128x8xi1> to vector<128x8xi32>
    %sign3A_53 = arith.constant 0 : i32
    %sign3A_54 = vector.broadcast %sign3A_53 : i32 to vector<128x8xi32>
    %sign3A_55 = arith.cmpi slt, %iota3A, %sign3A_54 : vector<128x8xi32>
    %sign3A_56 = arith.extui %sign3A_55 : vector<128x8xi1> to vector<128x8xi32>
    %sign3A_57 = arith.subi %sign3A_52, %sign3A_56 : vector<128x8xi32>
    %sign3A_58 = arith.constant 0 : i32
    %sign3A_59 = arith.cmpi sgt, %jit3A, %sign3A_58 : i32
    %sign3A_60 = arith.extui %sign3A_59 : i1 to i32
    %sign3A_61 = arith.constant 0 : i32
    %sign3A_62 = arith.cmpi slt, %jit3A, %sign3A_61 : i32
    %sign3A_63 = arith.extui %sign3A_62 : i1 to i32
    %sign3A_64 = arith.subi %sign3A_60, %sign3A_63 : i32
    %ne3A = vector.broadcast %sign3A_64 : i32 to vector<128x8xi32>
    %ne3A_65 = arith.cmpi ne, %sign3A_57, %ne3A : vector<128x8xi32>
    %rem3A = vector.broadcast %jit3A : i32 to vector<128x8xi32>
    %rem3A_66 = arith.remsi %iota3A, %rem3A : vector<128x8xi32>
    %ne3A_67 = arith.constant 0 : i32
    %ne3A_68 = vector.broadcast %ne3A_67 : i32 to vector<128x8xi32>
    %ne3A_69 = arith.cmpi ne, %rem3A_66, %ne3A_68 : vector<128x8xi32>
    %and3A = arith.andi %ne3A_65, %ne3A_69 : vector<128x8xi1>
    %sub3A_70 = arith.constant 1 : i32
    %sub3A_71 = vector.broadcast %sub3A_70 : i32 to vector<128x8xi32>
    %sub3A_72 = arith.subi %div3A_49, %sub3A_71 : vector<128x8xi32>
    %select_n3A_73 = arith.select %and3A, %sub3A_72, %div3A_49 : vector<128x8xi1>, vector<128x8xi32>
    %eq3A_74 = arith.cmpi eq, %select_n3A_73, %iota3A_43 : vector<128x8xi32>
    %convert_element_type3A_75 = arith.extui %eq3A_74 : vector<128x8xi1> to vector<128x8xi32>
    %convert_element_type3A_76 = arith.sitofp %convert_element_type3A_75 : vector<128x8xi32> to vector<128x8xf32>
    %dot_general3A = arith.constant dense<0.000000e+00> : vector<3968x8xf32>
    %dot_general3A_77 = tpu.matmul %max3A_42, %convert_element_type3A_47, %dot_general3A {dimension_numbers = #tpu.dot_dimension_numbers<[1], [0], [0], [1], [0, 0, 1, 1], [], []>, precision = #tpu.contract_precision<fp32>, transpose_lhs_hint = false} : vector<3968x128xf32>, vector<128x8xf32>, vector<3968x8xf32> -> vector<3968x8xf32>
    %swap3A = arith.constant 0 : index
    %swap3A_78 = arith.constant 0 : index
    %swap3A_79 = vector.load %arg4[%swap3A, %swap3A_78] : memref<3968x8xf32, #tpu.memory_space<vmem>>, vector<3968x8xf32>
    tpu.vector_store %arg4[%swap3A, %swap3A_78], %dot_general3A_77 {strides = array<i32>} : memref<3968x8xf32, #tpu.memory_space<vmem>>, vector<3968x8xf32>,
    %abs3A_80 = math.absf %get3A_7 : vector<3968x8xf32>
    %neg3A_81 = arith.constant 0.000000e+00 : f32
    %neg3A_82 = vector.broadcast %neg3A_81 : f32 to vector<3968x8xf32>
    %neg3A_83 = arith.subf %neg3A_82, %abs3A_80 : vector<3968x8xf32>
    %exp3A_84 = math.exp %neg3A_83 : vector<3968x8xf32>
    %add3A_85 = arith.constant 1.000000e+00 : f32
    %add3A_86 = vector.broadcast %add3A_85 : f32 to vector<3968x8xf32>
    %add3A_87 = arith.addf %add3A_86, %exp3A_84 : vector<3968x8xf32>
    %div3A_88 = arith.constant 1.000000e+00 : f32
    %div3A_89 = vector.broadcast %div3A_88 : f32 to vector<3968x8xf32>
    %div3A_90 = arith.divf %div3A_89, %add3A_87 : vector<3968x8xf32>
    %ge3A_91 = arith.constant 0.000000e+00 : f32
    %ge3A_92 = vector.broadcast %ge3A_91 : f32 to vector<3968x8xf32>
    %ge3A_93 = arith.cmpf oge, %get3A_7, %ge3A_92 : vector<3968x8xf32>
    %sub3A_94 = arith.constant 1.000000e+00 : f32
    %sub3A_95 = vector.broadcast %sub3A_94 : f32 to vector<3968x8xf32>
    %sub3A_96 = arith.subf %sub3A_95, %div3A_90 : vector<3968x8xf32>
    %select_n3A_97 = arith.select %ge3A_93, %div3A_90, %sub3A_96 : vector<3968x8xi1>, vector<3968x8xf32>
    %mul3A_98 = arith.mulf %select_n3A_97, %dot_general3A_77 : vector<3968x8xf32>
    %swap3A_99 = arith.constant 0 : index
    %swap3A_100 = arith.constant 0 : index
    %swap3A_101 = vector.load %arg5[%swap3A_99, %swap3A_100] : memref<3968x8xf32, #tpu.memory_space<vmem>>, vector<3968x8xf32>
    tpu.vector_store %arg5[%swap3A_99, %swap3A_100], %mul3A_98 {strides = array<i32>} : memref<3968x8xf32, #tpu.memory_space<vmem>>, vector<3968x8xf32>,
    %sub3A_102 = arith.subf %mul3A_31, %mul3A_26 : vector<3968x128xf32>
    %dot_general3A_103 = arith.constant dense<0.000000e+00> : vector<3968x8xf32>
    %dot_general3A_104 = tpu.matmul %sub3A_102, %convert_element_type3A_76, %dot_general3A_103 {dimension_numbers = #tpu.dot_dimension_numbers<[1], [0], [0], [1], [0, 0, 1, 1], [], []>, transpose_lhs_hint = false} : vector<3968x128xf32>, vector<128x8xf32>, vector<3968x8xf32> -> vector<3968x8xf32>
    %swap3A_105 = arith.constant 0 : index
    %swap3A_106 = arith.constant 0 : index
    %swap3A_107 = vector.load %arg6[%swap3A_105, %swap3A_106] : memref<3968x8xf32, #tpu.memory_space<vmem>>, vector<3968x8xf32>
    tpu.vector_store %arg6[%swap3A_105, %swap3A_106], %dot_general3A_104 {strides = array<i32>} : memref<3968x8xf32, #tpu.memory_space<vmem>>, vector<3968x8xf32>,
    %eq3A_108 = arith.constant 0 : i32
    %eq3A_109 = arith.cmpi eq, %arg0, %eq3A_108 : i32
    %convert_element_type3A_110 = arith.extui %eq3A_109 : i1 to i32
    %cond3A = arith.constant 0 : i32
    %cond3A_111 = arith.cmpi ne, %convert_element_type3A_110, %cond3A : i32
    scf.if %cond3A_111 {
      %swap3A_135 = arith.constant 0.000000e+00 : f32
      %swap3A_136 = arith.constant 0 : index
      %swap3A_137 = arith.constant 0 : index
      %swap3A_138 = memref.load %arg7[%swap3A_136, %swap3A_137] : memref<1x2xf32, #tpu.memory_space<smem>>
      memref.store %swap3A_135, %arg7[%swap3A_136, %swap3A_137] : memref<1x2xf32, #tpu.memory_space<smem>>
      %swap3A_139 = arith.constant 0.000000e+00 : f32
      %swap3A_140 = arith.constant 0 : index
      %swap3A_141 = arith.constant 1 : index
      %swap3A_142 = memref.load %arg7[%swap3A_140, %swap3A_141] : memref<1x2xf32, #tpu.memory_space<smem>>
      memref.store %swap3A_139, %arg7[%swap3A_140, %swap3A_141] : memref<1x2xf32, #tpu.memory_space<smem>>
    } else {
    }
    %get3A_112 = arith.constant 0 : index
    %get3A_113 = arith.constant 0 : index
    %get3A_114 = memref.load %arg7[%get3A_112, %get3A_113] : memref<1x2xf32, #tpu.memory_space<smem>>
    %reduce_sum3A = vector.shape_cast %mul3A_26 : vector<3968x128xf32> to vector<1x3968x128xf32>
    %reduce_sum3A_115 = arith.constant dense<0.000000e+00> : vector<1xf32>
    %reduce_sum3A_116 = vector.multi_reduction <add>, %reduce_sum3A, %reduce_sum3A_115 [1, 2] : vector<1x3968x128xf32> to vector<1xf32>
    %reduce_sum3A_117 = vector.shape_cast %reduce_sum3A_116 : vector<1xf32> to vector<1x1x1xf32>
    %reduce_sum3A_118 = vector.extract %reduce_sum3A_117[0, 0, 0] : f32 from vector<1x1x1xf32>
    %add3A_119 = arith.addf %get3A_114, %reduce_sum3A_118 : f32
    %swap3A_120 = arith.constant 0 : index
    %swap3A_121 = arith.constant 0 : index
    %swap3A_122 = memref.load %arg7[%swap3A_120, %swap3A_121] : memref<1x2xf32, #tpu.memory_space<smem>>
    memref.store %add3A_119, %arg7[%swap3A_120, %swap3A_121] : memref<1x2xf32, #tpu.memory_space<smem>>
    %get3A_123 = arith.constant 0 : index
    %get3A_124 = arith.constant 1 : index
    %get3A_125 = memref.load %arg7[%get3A_123, %get3A_124] : memref<1x2xf32, #tpu.memory_space<smem>>
    %reduce_sum3A_126 = vector.shape_cast %dot_general3A_77 : vector<3968x8xf32> to vector<1x3968x8xf32>
    %reduce_sum3A_127 = arith.constant dense<0.000000e+00> : vector<1xf32>
    %reduce_sum3A_128 = vector.multi_reduction <add>, %reduce_sum3A_126, %reduce_sum3A_127 [1, 2] : vector<1x3968x8xf32> to vector<1xf32>
    %reduce_sum3A_129 = vector.shape_cast %reduce_sum3A_128 : vector<1xf32> to vector<1x1x1xf32>
    %reduce_sum3A_130 = vector.extract %reduce_sum3A_129[0, 0, 0] : f32 from vector<1x1x1xf32>
    %add3A_131 = arith.addf %get3A_125, %reduce_sum3A_130 : f32
    %swap3A_132 = arith.constant 0 : index
    %swap3A_133 = arith.constant 1 : index
    %swap3A_134 = memref.load %arg7[%swap3A_132, %swap3A_133] : memref<1x2xf32, #tpu.memory_space<smem>>
    memref.store %add3A_131, %arg7[%swap3A_132, %swap3A_133] : memref<1x2xf32, #tpu.memory_space<smem>>
    return
  }
  func.func @transform_0(%arg0: i32) -> (i32, i32) {
    %c0_i32 = arith.constant 0 : i32
    %c0_i32_0 = arith.constant 0 : i32
    return %arg0, %c0_i32 : i32, i32
  }
  func.func @transform_1(%arg0: i32) -> (i32, i32) {
    %c0_i32 = arith.constant 0 : i32
    %c0_i32_0 = arith.constant 0 : i32
    return %arg0, %c0_i32 : i32, i32
  }
  func.func @transform_2(%arg0: i32) -> (i32, i32) {
    %c0_i32 = arith.constant 0 : i32
    %c0_i32_0 = arith.constant 0 : i32
    return %arg0, %c0_i32 : i32, i32
  }
  func.func @transform_3(%arg0: i32) -> (i32, i32) {
    %c0_i32 = arith.constant 0 : i32
    %c0_i32_0 = arith.constant 0 : i32
    return %arg0, %c0_i32 : i32, i32
  }
  func.func @transform_4(%arg0: i32) -> (i32, i32) {
    %c0_i32 = arith.constant 0 : i32
    %c0_i32_0 = arith.constant 0 : i32
    return %arg0, %c0_i32 : i32, i32
  }
  func.func @transform_5(%arg0: i32) -> (i32, i32) {
    %c0_i32 = arith.constant 0 : i32
    %c0_i32_0 = arith.constant 0 : i32
    return %arg0, %c0_i32 : i32, i32
  }
  func.func @transform_6(%arg0: i32) -> (i32, i32) {
    %c0_i32 = arith.constant 0 : i32
    %c0_i32_0 = arith.constant 0 : i32
    %c0_i32_1 = arith.constant 0 : i32
    return %c0_i32, %c0_i32_0 : i32, i32
  }
}

module attributes {stable_mosaic.version = 14 : i64} {
  func.func @_bisect_body(%arg0: memref<2728x128xf32, #tpu.memory_space<vmem>>, %arg1: memref<2728x128xf32, #tpu.memory_space<vmem>>, %arg2: memref<1x4xf32, #tpu.memory_space<smem>>) attributes {dimension_semantics = [], scalar_prefetch = 0 : i64, scratch_operands = 0 : i64, tpu.core_type = #tpu.core_type<tc>} {
    %get3A = arith.constant 0 : index
    %get3A_0 = arith.constant 0 : index
    %get3A_1 = vector.load %arg0[%get3A, %get3A_0] : memref<2728x128xf32, #tpu.memory_space<vmem>>, vector<2728x128xf32>
    %bitcast_convert_type3A = tpu.bitcast %get3A_1 : vector<2728x128xf32> -> vector<2728x128xi32>
    %scan3A = arith.constant 0 : i32
    %scan3A_2 = arith.constant 1065353216 : i32
    %scan3A_3 = arith.constant 0 : i32
    %scan3A_4 = arith.constant 31 : i32
    %scan3A_5 = arith.addi %scan3A_3, %scan3A_4 : i32
    %scan3A_6 = arith.constant 1 : i32
    %scan3A_7:2 = scf.for %scan3A_68 = %scan3A_3 to %scan3A_5 step %scan3A_6 iter_args(%scan3A_69 = %scan3A, %scan3A_70 = %scan3A_2) -> (i32, i32)  : i32 {
      %add3A_71 = arith.addi %scan3A_69, %scan3A_70 : i32
      %jit3A_72 = arith.constant 2 : i32
      %div3A_73 = arith.divsi %add3A_71, %jit3A_72 : i32
      %sign3A = arith.constant 0 : i32
      %sign3A_74 = arith.cmpi sgt, %add3A_71, %sign3A : i32
      %sign3A_75 = arith.extui %sign3A_74 : i1 to i32
      %sign3A_76 = arith.constant 0 : i32
      %sign3A_77 = arith.cmpi slt, %add3A_71, %sign3A_76 : i32
      %sign3A_78 = arith.extui %sign3A_77 : i1 to i32
      %sign3A_79 = arith.subi %sign3A_75, %sign3A_78 : i32
      %sign3A_80 = arith.constant 0 : i32
      %sign3A_81 = arith.cmpi sgt, %jit3A_72, %sign3A_80 : i32
      %sign3A_82 = arith.extui %sign3A_81 : i1 to i32
      %sign3A_83 = arith.constant 0 : i32
      %sign3A_84 = arith.cmpi slt, %jit3A_72, %sign3A_83 : i32
      %sign3A_85 = arith.extui %sign3A_84 : i1 to i32
      %sign3A_86 = arith.subi %sign3A_82, %sign3A_85 : i32
      %ne3A = arith.cmpi ne, %sign3A_79, %sign3A_86 : i32
      %rem3A = arith.remsi %add3A_71, %jit3A_72 : i32
      %ne3A_87 = arith.constant 0 : i32
      %ne3A_88 = arith.cmpi ne, %rem3A, %ne3A_87 : i32
      %and3A = arith.andi %ne3A, %ne3A_88 : i1
      %sub3A_89 = arith.constant 1 : i32
      %sub3A_90 = arith.subi %div3A_73, %sub3A_89 : i32
      %select_n3A_91 = arith.select %and3A, %sub3A_90, %div3A_73 : i32
      %gt3A_92 = vector.broadcast %select_n3A_91 : i32 to vector<2728x128xi32>
      %gt3A_93 = arith.cmpi sgt, %bitcast_convert_type3A, %gt3A_92 : vector<2728x128xi32>
      %convert_element_type3A_94 = arith.extui %gt3A_93 : vector<2728x128xi1> to vector<2728x128xi32>
      %reduce_sum3A_95 = vector.shape_cast %convert_element_type3A_94 : vector<2728x128xi32> to vector<1x2728x128xi32>
      %reduce_sum3A_96 = arith.constant dense<0> : vector<1xi32>
      %reduce_sum3A_97 = vector.multi_reduction <add>, %reduce_sum3A_95, %reduce_sum3A_96 [1, 2] : vector<1x2728x128xi32> to vector<1xi32>
      %reduce_sum3A_98 = vector.shape_cast %reduce_sum3A_97 : vector<1xi32> to vector<1x1x1xi32>
      %reduce_sum3A_99 = vector.extract %reduce_sum3A_98[0, 0, 0] : i32 from vector<1x1x1xi32>
      %le3A = arith.constant 3490 : i32
      %le3A_100 = arith.cmpi sle, %reduce_sum3A_99, %le3A : i32
      %add3A_101 = arith.constant 1 : i32
      %add3A_102 = arith.addi %select_n3A_91, %add3A_101 : i32
      %select_n3A_103 = arith.select %le3A_100, %scan3A_69, %add3A_102 : i32
      %select_n3A_104 = arith.select %le3A_100, %select_n3A_91, %scan3A_70 : i32
      scf.yield %select_n3A_103, %select_n3A_104 : i32, i32
    }
    %gt3A = vector.broadcast %scan3A_7#1 : i32 to vector<2728x128xi32>
    %gt3A_8 = arith.cmpi sgt, %bitcast_convert_type3A, %gt3A : vector<2728x128xi32>
    %convert_element_type3A = arith.extui %gt3A_8 : vector<2728x128xi1> to vector<2728x128xi32>
    %reduce_sum3A = vector.shape_cast %convert_element_type3A : vector<2728x128xi32> to vector<1x2728x128xi32>
    %reduce_sum3A_9 = arith.constant dense<0> : vector<1xi32>
    %reduce_sum3A_10 = vector.multi_reduction <add>, %reduce_sum3A, %reduce_sum3A_9 [1, 2] : vector<1x2728x128xi32> to vector<1xi32>
    %reduce_sum3A_11 = vector.shape_cast %reduce_sum3A_10 : vector<1xi32> to vector<1x1x1xi32>
    %reduce_sum3A_12 = vector.extract %reduce_sum3A_11[0, 0, 0] : i32 from vector<1x1x1xi32>
    %bitcast_convert_type3A_13 = arith.bitcast %scan3A_7#1 : i32 to f32
    %get3A_14 = arith.constant 0 : index
    %get3A_15 = arith.constant 0 : index
    %get3A_16 = vector.load %arg0[%get3A_14, %get3A_15] : memref<2728x128xf32, #tpu.memory_space<vmem>>, vector<2728x128xf32>
    %get3A_17 = arith.constant 0 : index
    %get3A_18 = arith.constant 0 : index
    %get3A_19 = vector.load %arg1[%get3A_17, %get3A_18] : memref<2728x128xf32, #tpu.memory_space<vmem>>, vector<2728x128xf32>
    %gt3A_20 = vector.broadcast %bitcast_convert_type3A_13 : f32 to vector<2728x128xf32>
    %gt3A_21 = arith.cmpf ogt, %get3A_16, %gt3A_20 : vector<2728x128xf32>
    %eq3A = vector.broadcast %bitcast_convert_type3A_13 : f32 to vector<2728x128xf32>
    %eq3A_22 = arith.cmpf oeq, %get3A_16, %eq3A : vector<2728x128xf32>
    %jit3A = arith.constant 0.000000e+00 : f32
    %broadcast_in_dim3A = vector.broadcast %jit3A : f32 to vector<2728x128xf32>
    %select_n3A = arith.select %gt3A_21, %get3A_16, %broadcast_in_dim3A : vector<2728x128xi1>, vector<2728x128xf32>
    %reduce_sum3A_23 = vector.shape_cast %select_n3A : vector<2728x128xf32> to vector<1x2728x128xf32>
    %reduce_sum3A_24 = arith.constant dense<0.000000e+00> : vector<1xf32>
    %reduce_sum3A_25 = vector.multi_reduction <add>, %reduce_sum3A_23, %reduce_sum3A_24 [1, 2] : vector<1x2728x128xf32> to vector<1xf32>
    %reduce_sum3A_26 = vector.shape_cast %reduce_sum3A_25 : vector<1xf32> to vector<1x1x1xf32>
    %reduce_sum3A_27 = vector.extract %reduce_sum3A_26[0, 0, 0] : f32 from vector<1x1x1xf32>
    %sub3A = arith.constant 3491 : i32
    %sub3A_28 = arith.subi %sub3A, %reduce_sum3A_12 : i32
    %convert_element_type3A_29 = arith.sitofp %sub3A_28 : i32 to f32
    %convert_element_type3A_30 = arith.extui %eq3A_22 : vector<2728x128xi1> to vector<2728x128xi32>
    %convert_element_type3A_31 = arith.sitofp %convert_element_type3A_30 : vector<2728x128xi32> to vector<2728x128xf32>
    %reduce_sum3A_32 = vector.shape_cast %convert_element_type3A_31 : vector<2728x128xf32> to vector<1x2728x128xf32>
    %reduce_sum3A_33 = arith.constant dense<0.000000e+00> : vector<1xf32>
    %reduce_sum3A_34 = vector.multi_reduction <add>, %reduce_sum3A_32, %reduce_sum3A_33 [1, 2] : vector<1x2728x128xf32> to vector<1xf32>
    %reduce_sum3A_35 = vector.shape_cast %reduce_sum3A_34 : vector<1xf32> to vector<1x1x1xf32>
    %reduce_sum3A_36 = vector.extract %reduce_sum3A_35[0, 0, 0] : f32 from vector<1x1x1xf32>
    %jit3A_37 = arith.constant 0.000000e+00 : f32
    %broadcast_in_dim3A_38 = vector.broadcast %jit3A_37 : f32 to vector<2728x128xf32>
    %select_n3A_39 = arith.select %gt3A_21, %get3A_19, %broadcast_in_dim3A_38 : vector<2728x128xi1>, vector<2728x128xf32>
    %reduce_sum3A_40 = vector.shape_cast %select_n3A_39 : vector<2728x128xf32> to vector<1x2728x128xf32>
    %reduce_sum3A_41 = arith.constant dense<0.000000e+00> : vector<1xf32>
    %reduce_sum3A_42 = vector.multi_reduction <add>, %reduce_sum3A_40, %reduce_sum3A_41 [1, 2] : vector<1x2728x128xf32> to vector<1xf32>
    %reduce_sum3A_43 = vector.shape_cast %reduce_sum3A_42 : vector<1xf32> to vector<1x1x1xf32>
    %reduce_sum3A_44 = vector.extract %reduce_sum3A_43[0, 0, 0] : f32 from vector<1x1x1xf32>
    %jit3A_45 = arith.constant 0.000000e+00 : f32
    %broadcast_in_dim3A_46 = vector.broadcast %jit3A_45 : f32 to vector<2728x128xf32>
    %select_n3A_47 = arith.select %eq3A_22, %get3A_19, %broadcast_in_dim3A_46 : vector<2728x128xi1>, vector<2728x128xf32>
    %reduce_sum3A_48 = vector.shape_cast %select_n3A_47 : vector<2728x128xf32> to vector<1x2728x128xf32>
    %reduce_sum3A_49 = arith.constant dense<0.000000e+00> : vector<1xf32>
    %reduce_sum3A_50 = vector.multi_reduction <add>, %reduce_sum3A_48, %reduce_sum3A_49 [1, 2] : vector<1x2728x128xf32> to vector<1xf32>
    %reduce_sum3A_51 = vector.shape_cast %reduce_sum3A_50 : vector<1xf32> to vector<1x1x1xf32>
    %reduce_sum3A_52 = vector.extract %reduce_sum3A_51[0, 0, 0] : f32 from vector<1x1x1xf32>
    %swap3A = arith.constant 0 : index
    %swap3A_53 = arith.constant 0 : index
    %swap3A_54 = memref.load %arg2[%swap3A, %swap3A_53] : memref<1x4xf32, #tpu.memory_space<smem>>
    memref.store %bitcast_convert_type3A_13, %arg2[%swap3A, %swap3A_53] : memref<1x4xf32, #tpu.memory_space<smem>>
    %bitcast_convert_type3A_55 = arith.bitcast %reduce_sum3A_12 : i32 to f32
    %swap3A_56 = arith.constant 0 : index
    %swap3A_57 = arith.constant 1 : index
    %swap3A_58 = memref.load %arg2[%swap3A_56, %swap3A_57] : memref<1x4xf32, #tpu.memory_space<smem>>
    memref.store %bitcast_convert_type3A_55, %arg2[%swap3A_56, %swap3A_57] : memref<1x4xf32, #tpu.memory_space<smem>>
    %mul3A = arith.mulf %bitcast_convert_type3A_13, %convert_element_type3A_29 : f32
    %add3A = arith.addf %reduce_sum3A_27, %mul3A : f32
    %swap3A_59 = arith.constant 0 : index
    %swap3A_60 = arith.constant 2 : index
    %swap3A_61 = memref.load %arg2[%swap3A_59, %swap3A_60] : memref<1x4xf32, #tpu.memory_space<smem>>
    memref.store %add3A, %arg2[%swap3A_59, %swap3A_60] : memref<1x4xf32, #tpu.memory_space<smem>>
    %mul3A_62 = arith.mulf %reduce_sum3A_52, %convert_element_type3A_29 : f32
    %max3A = arith.constant 1.000000e+00 : f32
    %max3A_63 = arith.maximumf %reduce_sum3A_36, %max3A : f32
    %div3A = arith.divf %mul3A_62, %max3A_63 : f32
    %add3A_64 = arith.addf %reduce_sum3A_44, %div3A : f32
    %swap3A_65 = arith.constant 0 : index
    %swap3A_66 = arith.constant 3 : index
    %swap3A_67 = memref.load %arg2[%swap3A_65, %swap3A_66] : memref<1x4xf32, #tpu.memory_space<smem>>
    memref.store %add3A_64, %arg2[%swap3A_65, %swap3A_66] : memref<1x4xf32, #tpu.memory_space<smem>>
    return
  }
}

</mosaic_0001>

<sc_bundles>
// kernel: gather_offload_async_start.1
scs
__scs_entry_jumppad:
0x0: {  	(pc) =	sbr.rel $0x88, $3  }
0x1: {  	(tag) =	ssettag $0x0;
	lr =	simm.s32 $0x1  }
0x2: {  	[smem:$0x3F9B] =	sst lr;
	_ =	strace $0xD0000000  }
0x3: {  	_ = 	snop  }
0x4: {  	_ = 	snop  }
0x5: {  	_ = 	snop  }
0x6: {  	_ = 	snop  }
0x7: {  	_ = 	snop  }
__scs_overlays_trampoline_lowered:
0x8: {  	[smem:$0x3FAA] =	sst s0  }
0x9: {  	[smem:$0x3FAB] =	sst s1  }
0xa: {  	[smem:$0x3FAC] =	sst s2  }
0xb: {  	[smem:$0x3FAD] =	sst s3  }
0xc: {  	[smem:$0x3FAE] =	sst s4  }
0xd: {  	[smem:$0x3FAF] =	sst s5  }
0xe: {  	[smem:$0x3FB0] =	sst s6  }
0xf: {  	[smem:$0x3FB1] =	sst s7  }
0x10: {  	[smem:$0x3FB2] =	sst s8  }
0x11: {  	[smem:$0x3FB3] =	sst s9;
	s0 =	simm.s32 @!p0 $0x0  }
0x12: {  	s1 =	sld [smem:$0x3F99];
	s0 =	simm.s32 @p0 $0x1  }
0x13: {  	[smem:$0x3FB4] =	sst s0;
	s0 =	simm.s32 @!p1 $0x0  }
0x14: {  	s2 =	sld [smem:$0x3F98];
	s0 =	simm.s32 @p1 $0x1  }
0x15: {  	[smem:$0x3FB5] =	sst s0;
	s0 =	simm.s32 @!p2 $0x0  }
0x16: {  	s3 =	sld [smem:$0x3FDB];
	s0 =	simm.s32 @p2 $0x1  }
0x17: {  	s4 =	simm.s32 $0x1BF5;
	[smem:$0x3FB7] =	sst s0  }
0x18: {  	s0 =	sld [smem:$0x3F9A];
	_ =	swait.ge [sflag:s4], $0x0  }
0x19: {  	s7 =	sld [smem:$0x3F9B]  }
0x1a: {  	s8 =	sadd.s32 $0xFFFFE003, lr  }
0x1b: {  	s9 =	sadd.s32 $0xFFFFFEF7, lr;
	s5 =	simm.s32 $0xFFFFFFFF;
	p2 =	slt.u32 s8, $0xFFFFF086  }
0x1c: {  	p1 =	slt.u32 s9, $0xF7A;
	s5 =	simm.s32 @!p2 $0x0  }
0x1d: {  	s5 =	simm.s32 @p1 $0x1;
	p0 =	seq.s32 s7, s2  }
0x1e: {  	s7 =	smul.u32 @!p0 $0xF7A, s2;
	p2 =	seq.s32 @!p0 s5, $0x0  }
0x1f: {  	s9 =	smul.u32 $0xF7A, s1;
	s8 =	simm.s32 @!p0 $0x1BF5;
	p2 =	por !p2, p0  }
0x20: {  	[sflag:s8] =	ssyncset.s32 @!p0 $0xFFFFF086;
	s6 =	sadd.s32 @!p0 s3, s7;
	s7 =	simm.s32 @!p0 $0x108  }
0x21: {  	s3 =	sadd.s32 s3, s9;
	s6 =	sadd.s32 @!p0 $0x88, s6;
	s7 =	simm.s32 @p2 $0x1082  }
0x22: {  	[simem:s7], [sflag:s8] =	dma.local @!p0 [hbm:s6], $0xF7A  }
0x23: {  	s9 =	sor.u32 $0xD0000000, s2;
	s6 =	simm.s32 $0x108;
	_ =	swait.ge @!p0 [sflag:s8], $0x0  }
0x24: {  	s3 =	sadd.s32 $0x88, s3;
	s6 =	simm.s32 @!p1 $0x1082;
	[sflag:s4] =	ssyncset.s32 $0xFFFFF086  }
0x25: {  	[simem:s6], [sflag:s4] =	dma.local [hbm:s3], $0xF7A  }
0x26: {  	[smem:$0x3F9B] =	sst s1;
	(tag) =	ssettag s2;
	_ =	strace s9  }
0x27: {  	s1 =	sld [smem:$0x3FAB]  }
0x28: {  	s2 =	sld [smem:$0x3FAC]  }
0x29: {  	s4 =	sld [smem:$0x3FAE]  }
0x2a: {  	p0 =	seq.s32 s5, $0x0;
	s5 =	sld [smem:$0x3FAF]  }
0x2b: {  	s6 =	sld [smem:$0x3FB0]  }
0x2c: {  	s7 =	sld [smem:$0x3FB1]  }
0x2d: {  	s3 =	simm.s32 $0x108;
	s8 =	sld [smem:$0x3FB2]  }
0x2e: {  	s3 =	simm.s32 @!p0 $0x1082;
	s9 =	sld [smem:$0x3FB3]  }
0x2f: {  	lr =	sadd.s32 s0, s3;
	s0 =	sld [smem:$0x3FAA]  }
0x30: {  	s3 =	sld [smem:$0x3FAD]  }
0x31: {  	[smem:$0x3FB6] =	sst s10  }
0x32: {  	s10 =	sld [smem:$0x3FB4];
	_ =	sdelay $0x3  }
0x33: {  	p0 =	seq.s32 s10, $0x1;
	s10 =	sld [smem:$0x3FB6];
	_ =	sdelay $0x3  }
0x34: {  	[smem:$0x3FB6] =	sst s10  }
0x35: {  	s10 =	sld [smem:$0x3FB5];
	_ =	sdelay $0x3  }
0x36: {  	p1 =	seq.s32 s10, $0x1;
	s10 =	sld [smem:$0x3FB6];
	_ =	sdelay $0x3  }
0x37: {  	[smem:$0x3FB6] =	sst s10  }
0x38: {  	s10 =	sld [smem:$0x3FB7]  }
0x39: {  	_ = 	snop;
	(pc) =	sbr.ind lr, $3  }
0x3a: {  	_ = 	snop  }
0x3b: {  	_ = 	snop  }
0x3c: {  	p2 =	seq.s32 s10, $0x1;
	s10 =	sld [smem:$0x3FB6]  }
0x3d: {  	_ =	shalt  }
0x3e: {  	_ =	shalt  }
0x3f: {  	_ =	shalt  }
0x40: {  	_ =	shalt  }
0x41: {  	_ =	shalt  }
0x42: {  	_ =	shalt  }
0x43: {  	_ =	shalt  }
0x44: {  	_ =	shalt  }
0x45: {  	_ =	shalt  }
0x46: {  	_ =	shalt  }
0x47: {  	_ =	shalt  }
0x48: {  	_ =	shalt  }
0x49: {  	_ =	shalt  }
0x4a: {  	_ =	shalt  }
0x4b: {  	_ =	shalt  }
0x4c: {  	_ =	shalt  }
0x4d: {  	_ =	shalt  }
0x4e: {  	_ =	shalt  }
0x4f: {  	_ =	shalt  }
0x50: {  	_ =	shalt  }
0x51: {  	_ =	shalt  }
0x52: {  	_ =	shalt  }
0x53: {  	_ =	shalt  }
0x54: {  	_ =	shalt  }
0x55: {  	_ =	shalt  }
0x56: {  	_ =	shalt  }
0x57: {  	_ =	shalt  }
0x58: {  	_ =	shalt  }
0x59: {  	_ =	shalt  }
0x5a: {  	_ =	shalt  }
0x5b: {  	_ =	shalt  }
0x5c: {  	_ =	shalt  }
0x5d: {  	_ =	shalt  }
0x5e: {  	_ =	shalt  }
0x5f: {  	_ =	shalt  }
0x60: {  	_ =	shalt  }
0x61: {  	_ =	shalt  }
0x62: {  	_ =	shalt  }
0x63: {  	_ =	shalt  }
0x64: {  	_ =	shalt  }
0x65: {  	_ =	shalt  }
0x66: {  	_ =	shalt  }
0x67: {  	_ =	shalt  }
0x68: {  	_ =	shalt  }
0x69: {  	_ =	shalt  }
0x6a: {  	_ =	shalt  }
0x6b: {  	_ =	shalt  }
0x6c: {  	_ =	shalt  }
0x6d: {  	_ =	shalt  }
0x6e: {  	_ =	shalt  }
0x6f: {  	_ =	shalt  }
0x70: {  	_ =	shalt  }
0x71: {  	_ =	shalt  }
0x72: {  	_ =	shalt  }
0x73: {  	_ =	shalt  }
0x74: {  	_ =	shalt  }
0x75: {  	_ =	shalt  }
0x76: {  	_ =	shalt  }
0x77: {  	_ =	shalt  }
0x78: {  	_ =	shalt  }
0x79: {  	_ =	shalt  }
0x7a: {  	_ =	shalt  }
0x7b: {  	_ =	shalt  }
0x7c: {  	_ =	shalt  }
0x7d: {  	_ =	shalt  }
0x7e: {  	_ =	shalt  }
0x7f: {  	_ =	shalt  }
0x80: {  	_ =	shalt  }
0x81: {  	_ =	shalt  }
0x82: {  	_ =	shalt  }
0x83: {  	_ =	shalt  }
0x84: {  	_ =	shalt  }
0x85: {  	_ =	shalt  }
0x86: {  	_ =	shalt  }
0x87: {  	_ =	shalt  }
.Lfunc_end0:
.L_simem_size_0:
called_computation.1_lowered:
.L_overlay_start_0:
0x88: {  	s2 =	sld [smem:$0x3FD9]  }
0x89: {  	s3 =	sld [smem:$0x3FFE];
	_ =	sdelay $0x1  }
0x8a: {  	s1 =	srdreg.scid  }
0x8b: {  	s0 =	sand.u32 $0x1, s1  }
0x8c: {  	s17 =	sshll.u32 s0, $0xA;
	s2 =	sadd.s32 s3, s2  }
0x8d: {  	s2 =	sadd.s32 s2, s17  }
0x8e: {  	[smem:$0x3FC2] =	sst s2  }
0x8f: {  	_ = 	snop  }
0x90: {  	s18 =	sld [smem:$0x3FC8];
	(tm) =	ssettm $0x1  }
0x91: {  	s19 =	sld [smem:$0x3FFB];
	_ =	sdelay $0x3  }
0x92: {  	_ =	strace s19  }
0x93: {  	s2 =	sld [smem:$0x3FFC];
	_ =	sdelay $0x3  }
0x94: {  	_ =	strace s2  }
0x95: {  	s2 =	sld [smem:$0x3FFD];
	_ =	sdelay $0x3  }
0x96: {  	_ =	strace s2  }
0x97: {  	_ =	strace $0x8FFFFFFF  }
0x98: {  	s20 =	sld [smem:$0x3FDB];
	_ =	sdelay $0x1  }
0x99: {  	s4 =	simm.s32 $_scs_section_size  }
0x9a: {  	s5 =	simm.s32 $_size__tile_overlayer_lowered;
	s6 =	simm.s32 $_tile_overlayer_lowered  }
0x9b: {  	s7 =	simm.s32 $0x1BFF;
	s21 =	sshll.u32 s6, $0x1;
	s4 =	sadd.s32 s4, s20  }
0x9c: {  	s22 =	simm.s32 $0x0;
	s5 =	sshll.u32 s5, $0x1;
	s6 =	sadd.s32 s21, s4  }
0x9d: {  	[timem:s22], [sflag:s7] =	dma.local [hbm:s6], s5  }
0x9e: {  	_ =	swait.ge [sflag:s7], s5  }
0x9f: {  	s5 =	ssub.s32 $0x0, s5;
	[sflag:s7] =	ssyncset.done $0x0  }
0xa0: {  	[sflag:s7] =	ssyncadd.s32 s5;
	_ =	sdelay $0x1  }
0xa1: {  	s23 =	simm.s32 $0x1B8B  }
0xa2: {  	_ =	swait.ge [sflag:s23], $0x1  }
0xa3: {  	[sflag:s23] =	ssyncset.done $0x0  }
0xa4: {  	[sflag:s23] =	ssyncadd.s32 $0xFFFFFFFF  }
0xa5: {  	s5 =	sld [smem:$0x0]  }
0xa6: {  	s6 =	sand.u32 $0xFFFFFFFE, s1  }
0xa7: {  	p0 =	sne.s32 s1, s6  }
0xa8: {  	s6 =	sshll.u32 @p0 s6, $0xE  }
0xa9: {  	s6 =	sadd.s32 @p0 $0x11B8D, s6;
	s7 =	sshll.u32 @p0 s5, $0x11  }
0xaa: {  	s6 =	sor.u32 @p0 s7, s6  }
0xab: {  	[sflag:s6] =	ssyncadd.remote.s32 @p0 $0x1;
	_ =	sdelay $0x1  }
0xac: {  	s6 =	simm.s32 @p0 $0x1B8D  }
0xad: {  	_ =	swait.eq @p0 [sflag:s6], $0x1  }
0xae: {  	[sflag:s6] =	ssyncadd.s32 @p0 $0xFFFFFFFF  }
0xaf: {  	s7 =	sshll.u32 @!p0 s1, $0xE  }
0xb0: {  	s7 =	sor.u32 @!p0 $0x4000, s7;
	s6 =	simm.s32 @!p0 $0x1B8D  }
0xb1: {  	s5 =	sshll.u32 @!p0 s5, $0x11;
	s7 =	sadd.s32 @!p0 $0x11B8D, s7;
	_ =	swait.eq @!p0 [sflag:s6], $0x1  }
0xb2: {  	s5 =	sor.u32 @!p0 s5, s7;
	[sflag:s6] =	ssyncadd.s32 @!p0 $0xFFFFFFFF  }
0xb3: {  	s25 =	simm.s32 $0x1B8E;
	s24 =	sld [smem:$0x3FFE];
	[sflag:s5] =	ssyncadd.remote.s32 @!p0 $0x1  }
0xb4: {  	s26 =	simm.s32 $execute0_lowered;
	[smem:$0x3FD2] =	sst s25  }
0xb5: {  	s6 =	sshll.u32 s26, $0x1;
	_ =	strace $0x80000049;
	[dreg:$0x1] =	wrdreg $0xFFFFFFFF  }
0xb6: {  	s28 =	simm.s32 $_size_execute0_lowered;
	s4 =	sadd.s32 s4, s6;
	[dreg:$0x0] =	wrdreg $0x0  }
0xb7: {  	s6 =	sshll.u32 s28, $0x1;
	[dreg:$0x2] =	wrdreg s4  }
0xb8: {  	[dreg:$0x3] =	wrdreg s6  }
0xb9: {  	[dreg:$0x4] =	wrdreg $0xC0  }
0xba: {  	_ =	task [dreg:s22], $0x5FFFF  }
0xbb: {  	[dreg:$0x1] =	wrdreg $0xFFFFFFFF  }
0xbc: {  	[dreg:$0x0] =	wrdreg $0x60  }
0xbd: {  	[dreg:$0x2] =	wrdreg s18  }
0xbe: {  	[dreg:$0x3] =	wrdreg s24  }
0xbf: {  	[dreg:$0x4] =	wrdreg $0xA  }
0xc0: {  	_ =	task.clear_ibuf [dreg:s22], $0x5FFFF;
	_ =	strace $0x90000049  }
0xc1: {  	s29 =	simm.s32 $0xA;
	_ =	strace $0x8000004B  }
0xc2: {  	_ =	swait.ge [sflag:s29], $0x1  }
0xc3: {  	[sflag:s29] =	ssyncadd.s32 $0xFFFFFFFF  }
0xc4: {  	_ =	strace $0x9000004B  }
0xc5: {  	_ =	sfence  }
0xc6: {  	s30 =	sld [smem:$0x0];
	_ =	sdelay $0x2  }
0xc7: {  	s31 =	sshll.u32 s1, $0xD;
	s1 =	sshrl.u32 s1, $0x2  }
0xc8: {  	s4 =	sand.u32 $0x4000, s31;
	s1 =	sadd.s32 s1, s30  }
0xc9: {  	s0 =	sor.u32 s4, s0;
	s1 =	sshll.u32 s1, $0x11  }
0xca: {  	s0 =	sor.u32 s1, s0  }
0xcb: {  	s0 =	sadd.s32 $0x8F2B, s0  }
0xcc: {  	[sflag:s0] =	ssyncadd.remote.s32 $0x1  }
0xcd: {  	_ =	sfence.sel $0xFFFF  }
0xce: {  	[dreg:$0x0] =	wrdreg $0xFFFFFFFF;
	(pc) =	sbr.abs _section_cstart, $3  }
0xcf: {  	[dreg:$0x1] =	wrdreg $0xFFFFFFFF  }
0xd0: {  	_ =	task.clear_ibuf [dreg:s22], $0x2FFFF;
	_ =	strace $0x9FFFFFFF  }
0xd1: {  	(tm) =	ssettm $0x7FFFFFFF  }
tec
execute0_lowered:
.L_overlay_start_1:
0x0: {  	(tag) =	ssettag $0x1  }
0x1: {  	s1 =	srdreg.scid;
	s2 =	rddreg [dreg:$0x0]  }
0x2: {  	s0 =	stileid.u32;
	s9 =	rddreg [dreg:$0x1];
	s4 =	simm.s32 $0x1  }
0x3: {  	s5 =	simm.s32 $0x2;
	s12 =	simm.s32 $0x0;
	s1 =	sshll.u32 s1, $0x7  }
0x4: {  	s11 =	simm.s32 $0x0;
	s3 =	sshll.u32 s0, $0x8;
	s1 =	sand.u32 $0x80, s1  }
0x5: {  	s3 =	sor.u32 s3, s1;
	s1 =	rddreg [dreg:$0x2];
	_ =	strace $0x8000004A  }
0x6: {  	s6 =	sadd.s32 $0x1800, s9;
	s7 =	ssub.s32 $0xE00, s3;
	[sflag:s4] =	ssyncpa.u1 $0x0  }
.Ltmp0:
0x7: {  	s10 =	sshrl.u32 s3, $0x3;
	p0 =	sgt.s32 s7, $0x0;
	(pc) =	sbr.rel .LBB2_1-.Ltmp0, $4  }
0x8: {  	[sflag:s5] =	ssyncpa.u1 $0x0;
	s9 =	sadd.s32 s9, s10;
	s7 =	simm.s32 @!p0 $0x0  }
0x9: {  	s10 =	simm.s32 $0x0;
	s8 =	sand.u32 $0xF80, s7;
	s7 =	simm.s32 $0x3  }
0xa: {  	p0 =	sne.s32 s8, $0x0;
	s8 =	simm.s32 $0x1;
	[sflag:s7] =	ssyncpa.u1 $0x0  }
0xb: {  	vm0 =	vmmov $0xffff;
	v0 =	vlaneseq.u32;
	s8 =	simm.s32 @!p0 $0x0;
	s7 =	simm.s32 @!p0 $0x2;
	p0 =	por $0x0, $0x0  }
.LBB2_4:
0xc: {  	_ =	sdelay $0x3  }
0xd: {  	[tilespmem:s20], [sflag:$0x1] =	stream.indirect_vreg.gather [hbm4b:s2+s10], $0x1, v1, vm0, $0x4038;
	[tilespmem:$0x900] =	vst v63  }
0xe: {  	s14 =	sadd.s32 s16, s14  }
0xf: {  	v1 =	vld.msk [tilespmem:s14+$0x0 ss:$0x1], $0xffff;
	_ =	sdelay $0x4  }
0x10: {  	vm1 =	vgt.s32 v1, $0x0  }
0x11: {  	p1 =	sgt.s32 s17, $0x0;
	v1 =	vnsel vm1, $0x0, v1  }
0x12: {  	s17 =	simm.s32 @!p1 $0x0;
	v1 =	vmin.u32 v1, $0x553FF  }
0x13: {  	s22 =	smin.u32 s17, $0x10;
	v2 =	vshll.u32 v1, $0x3  }
0x14: {  	v3 =	vmov s22;
	v1 =	vand.u32 $0x7F, v1;
	v2 =	vand.u32 $0x3FFC00, v2  }
0x15: {  	vm1 =	vgt.u32 v3, v0;
	v1 =	vor.u32 v1, v2  }
0x16: {  	v2 =	vnsel vm1, $0x7FFFFFFF, v1;
	_ =	sdelay $0x1  }
0x17: {  	v3 =	vor.u32 $0x80, v1  }
0x18: {  	(ifvalue) =	ssetifvalue $0x7FFFFFFF;
	v3 =	vnsel vm1, $0x7FFFFFFF, v3  }
0x19: {  	s23 =	sadd.s32 s16, s15;
	(ifvalue) =	ssetifvalue $0x7FFFFFFF  }
0x1a: {  	v4 =	vor.u32 $0x100, v1;
	[tilespmem:s23], [sflag:$0x1] =	stream.indirect_vreg.gather [hbm4b:s2+s10], $0x1, v2, vm0, $0x4038;
	[tilespmem:$0x900] =	vst v63  }
0x1b: {  	(ifvalue) =	ssetifvalue $0x7FFFFFFF;
	v2 =	vnsel vm1, $0x7FFFFFFF, v4  }
0x1c: {  	s15 =	sadd.s32 $0x80, s23;
	(ifvalue) =	ssetifvalue $0x7FFFFFFF  }
0x1d: {  	v60 =	vor.u32 $0x180, v1;
	[tilespmem:s15], [sflag:$0x1] =	stream.indirect_vreg.gather [hbm4b:s2+s10], $0x1, v3, vm0, $0x4038;
	[tilespmem:$0x900] =	vst v63  }
0x1e: {  	v3 =	vnsel vm1, $0x7FFFFFFF, v60;
	(ifvalue) =	ssetifvalue $0x7FFFFFFF  }
0x1f: {  	s24 =	sadd.s32 $0x100, s23;
	(ifvalue) =	ssetifvalue $0x7FFFFFFF  }
0x20: {  	v61 =	vor.u32 $0x200, v1;
	[tilespmem:s24], [sflag:$0x1] =	stream.indirect_vreg.gather [hbm4b:s2+s10], $0x1, v2, vm0, $0x4038;
	[tilespmem:$0x900] =	vst v63  }
0x21: {  	(ifvalue) =	ssetifvalue $0x7FFFFFFF;
	v2 =	vnsel vm1, $0x7FFFFFFF, v61  }
0x22: {  	s25 =	sadd.s32 $0x180, s23;
	(ifvalue) =	ssetifvalue $0x7FFFFFFF  }
0x23: {  	v62 =	vor.u32 $0x280, v1;
	[tilespmem:s25], [sflag:$0x1] =	stream.indirect_vreg.gather [hbm4b:s2+s10], $0x1, v3, vm0, $0x4038;
	[tilespmem:$0x900] =	vst v63  }
0x24: {  	v3 =	vnsel vm1, $0x7FFFFFFF, v62;
	(ifvalue) =	ssetifvalue $0x7FFFFFFF  }
0x25: {  	s26 =	sadd.s32 $0x200, s23;
	(ifvalue) =	ssetifvalue $0x7FFFFFFF  }
0x26: {  	v63 =	vor.u32 $0x300, v1;
	[tilespmem:s26], [sflag:$0x1] =	stream.indirect_vreg.gather [hbm4b:s2+s10], $0x1, v2, vm0, $0x4038;
	[tilespmem:$0x900] =	vst v63  }
0x27: {  	(ifvalue) =	ssetifvalue $0x7FFFFFFF;
	v2 =	vnsel vm1, $0x7FFFFFFF, v63  }
0x28: {  	s28 =	sadd.s32 $0x280, s23;
	(ifvalue) =	ssetifvalue $0x7FFFFFFF  }
0x29: {  	v1 =	vor.u32 $0x380, v1;
	[tilespmem:s28], [sflag:$0x1] =	stream.indirect_vreg.gather [hbm4b:s2+s10], $0x1, v3, vm0, $0x4038;
	[tilespmem:$0x900] =	vst v63  }
0x2a: {  	v1 =	vnsel vm1, $0x7FFFFFFF, v1;
	(ifvalue) =	ssetifvalue $0x7FFFFFFF  }
0x2b: {  	s29 =	sadd.s32 $0x300, s23;
	(ifvalue) =	ssetifvalue $0x7FFFFFFF  }
0x2c: {  	[tilespmem:s29], [sflag:$0x1] =	stream.indirect_vreg.gather [hbm4b:s2+s10], $0x1, v2, vm0, $0x4038;
	[tilespmem:$0x900] =	vst v63  }
0x2d: {  	(ifvalue) =	ssetifvalue $0x7FFFFFFF  }
0x2e: {  	s30 =	sshll.u32 s12, $0x3;
	s14 =	sadd.s32 $0x380, s23;
	(ifvalue) =	ssetifvalue $0x7FFFFFFF  }
0x2f: {  	[tilespmem:s14], [sflag:$0x1] =	stream.indirect_vreg.gather [hbm4b:s2+s10], $0x1, v1, vm0, $0x4038;
	[tilespmem:$0x900] =	vst v63  }
0x30: {  	s31 =	sand.u32 $0x78, s12;
	s14 =	sand.u32 $0x7FFFFC00, s30  }
0x31: {  	_ =	swait.ge [sflag:s4], $0x400;
	s12 =	sor.u32 s31, s14  }
0x32: {  	[sflag:s4] =	ssyncset.done $0x0;
	s12 =	sshrl.u32 s12, $0x3  }
0x33: {  	[sflag:s4] =	ssyncadd.s32 $0xFFFFFC00;
	s12 =	sadd.s32 s6, s12  }
0x34: {  	[hbm:s12] =	stream.linear.scatter [tilespmem:s13], [sflag:$0x3], $0x400, $0x38;
	[tilespmem:$0x900] =	vst v63  }
.LBB2_5:
0x35: {  	p1 =	slt.u32 s11, $0x2;
	s11 =	sadd.s32 $0x1, s11  }
0x36: {  	p2 =	sne.s32 s11, s7  }
.Ltmp1:
0x37: {  	_ = 	snop;
	(pc) =	sbr.rel @!p2 .LBB2_6-.Ltmp1, $4  }
0x38: {  	s12 =	simm.s32 @!p1 $0x3  }
0x39: {  	_ =	swait.ge @!p1 [sflag:s12], $0x400  }
0x3a: {  	[sflag:s12] =	ssyncset.done @!p1 $0x0  }
0x3b: {  	p0 =	por !p0, !p0;
	[sflag:s12] =	ssyncadd.s32 @!p1 $0xFFFFFC00;
	s12 =	smov.u32 s3  }
.LBB2_1:
0x3c: {  	p1 =	sge.u32 s11, s8  }
0x3d: {  	s31 =	sadd.s32 $0xFFFFFFFF, s11;
	s13 =	simm.s32 @!p1 $0x0;
	s14 =	simm.s32 @!p1 $0x80  }
0x3e: {  	[tilespmem:s14], [sflag:$0x2] =	stream.linear.gather @!p1 [hbm4b:s9+s13], $0x80, $0x38;
	[tilespmem:$0x900] =	vst v63  }
0x3f: {  	p1 =	sge.u32 s31, s8  }
.Ltmp2:
0x40: {  	_ = 	snop;
	(pc) =	sbr.rel @p1 .LBB2_5-.Ltmp2, $1  }
0x41: {  	_ =	sdelay $0x3  }
0x42: {  	s13 =	simm.s32 $0x1  }
0x43: {  	_ =	swait.ge [sflag:s5], $0x80;
	s13 =	simm.s32 @!p0 $0x0  }
0x44: {  	[sflag:s5] =	ssyncset.done $0x0;
	s14 =	sshll.u32 s13, $0x7  }
0x45: {  	[sflag:s5] =	ssyncadd.s32 $0xFFFFFF80;
	s15 =	sadd.s32 $0x0, s14  }
0x46: {  	v1 =	vld.msk [tilespmem:s15+$0x0 ss:$0x1], $0xffff;
	_ =	sdelay $0x2  }
0x47: {  	s17 =	ssub.s32 $0xDA3, s12  }
0x48: {  	p1 =	slt.s32 s17, $0x80  }
0x49: {  	s17 =	simm.s32 @!p1 $0x80;
	vm1 =	vgt.s32 v1, $0x0  }
0x4a: {  	p1 =	sgt.s32 s17, $0x0;
	s15 =	smov.u32 s17;
	v1 =	vnsel vm1, $0x0, v1  }
0x4b: {  	s15 =	simm.s32 @!p1 $0x0;
	v1 =	vmin.u32 v1, $0x553FF  }
0x4c: {  	s15 =	smin.u32 s15, $0x10;
	v2 =	vshll.u32 v1, $0x3  }
0x4d: {  	v3 =	vmov s15;
	v1 =	vand.u32 $0x7F, v1;
	v2 =	vand.u32 $0x3FFC00, v2  }
0x4e: {  	vm1 =	vgt.u32 v3, v0;
	v1 =	vor.u32 v1, v2  }
0x4f: {  	v2 =	vnsel vm1, $0x7FFFFFFF, v1;
	_ =	sdelay $0x1  }
0x50: {  	s13 =	sshll.u32 s13, $0xA;
	v3 =	vor.u32 $0x80, v1  }
0x51: {  	(ifvalue) =	ssetifvalue $0x7FFFFFFF;
	s15 =	sor.u32 $0x100, s13;
	v3 =	vnsel vm1, $0x7FFFFFFF, v3  }
0x52: {  	(ifvalue) =	ssetifvalue $0x7FFFFFFF;
	s18 =	sadd.s32 $0x0, s15  }
0x53: {  	v4 =	vor.u32 $0x100, v1;
	[tilespmem:s18], [sflag:$0x1] =	stream.indirect_vreg.gather [hbm4b:s2+s10], $0x1, v2, vm0, $0x4038;
	[tilespmem:$0x900] =	vst v63  }
0x54: {  	(ifvalue) =	ssetifvalue $0x7FFFFFFF;
	v2 =	vnsel vm1, $0x7FFFFFFF, v4  }
0x55: {  	s25 =	sadd.s32 $0x80, s18;
	(ifvalue) =	ssetifvalue $0x7FFFFFFF  }
0x56: {  	v60 =	vor.u32 $0x180, v1;
	[tilespmem:s25], [sflag:$0x1] =	stream.indirect_vreg.gather [hbm4b:s2+s10], $0x1, v3, vm0, $0x4038;
	[tilespmem:$0x900] =	vst v63  }
0x57: {  	v3 =	vnsel vm1, $0x7FFFFFFF, v60;
	(ifvalue) =	ssetifvalue $0x7FFFFFFF  }
0x58: {  	s26 =	sadd.s32 $0x100, s18;
	(ifvalue) =	ssetifvalue $0x7FFFFFFF  }
0x59: {  	v61 =	vor.u32 $0x200, v1;
	[tilespmem:s26], [sflag:$0x1] =	stream.indirect_vreg.gather [hbm4b:s2+s10], $0x1, v2, vm0, $0x4038;
	[tilespmem:$0x900] =	vst v63  }
0x5a: {  	(ifvalue) =	ssetifvalue $0x7FFFFFFF;
	v2 =	vnsel vm1, $0x7FFFFFFF, v61  }
0x5b: {  	s28 =	sadd.s32 $0x180, s18;
	(ifvalue) =	ssetifvalue $0x7FFFFFFF  }
0x5c: {  	v62 =	vor.u32 $0x280, v1;
	[tilespmem:s28], [sflag:$0x1] =	stream.indirect_vreg.gather [hbm4b:s2+s10], $0x1, v3, vm0, $0x4038;
	[tilespmem:$0x900] =	vst v63  }
0x5d: {  	v3 =	vnsel vm1, $0x7FFFFFFF, v62;
	(ifvalue) =	ssetifvalue $0x7FFFFFFF  }
0x5e: {  	s29 =	sadd.s32 $0x200, s18;
	(ifvalue) =	ssetifvalue $0x7FFFFFFF  }
0x5f: {  	v63 =	vor.u32 $0x300, v1;
	[tilespmem:s29], [sflag:$0x1] =	stream.indirect_vreg.gather [hbm4b:s2+s10], $0x1, v2, vm0, $0x4038;
	[tilespmem:$0x900] =	vst v63  }
0x60: {  	(ifvalue) =	ssetifvalue $0x7FFFFFFF;
	v2 =	vnsel vm1, $0x7FFFFFFF, v63  }
0x61: {  	s16 =	sadd.s32 $0x280, s18;
	(ifvalue) =	ssetifvalue $0x7FFFFFFF  }
0x62: {  	v1 =	vor.u32 $0x380, v1;
	[tilespmem:s16], [sflag:$0x1] =	stream.indirect_vreg.gather [hbm4b:s2+s10], $0x1, v3, vm0, $0x4038;
	[tilespmem:$0x900] =	vst v63  }
0x63: {  	s30 =	sand.u32 $0x1, s11;
	s19 =	simm.s32 $0x80;
	v1 =	vnsel vm1, $0x7FFFFFFF, v1;
	(ifvalue) =	ssetifvalue $0x7FFFFFFF  }
0x64: {  	s13 =	sshll.u32 s30, $0xA;
	s31 =	sadd.s32 $0x300, s18;
	(ifvalue) =	ssetifvalue $0x7FFFFFFF  }
0x65: {  	[tilespmem:s31], [sflag:$0x1] =	stream.indirect_vreg.gather [hbm4b:s2+s10], $0x1, v2, vm0, $0x4038;
	[tilespmem:$0x900] =	vst v63  }
0x66: {  	s17 =	sadd.s32 $0xFFFFFFF0, s17;
	s13 =	sor.u32 $0x100, s13;
	(ifvalue) =	ssetifvalue $0x7FFFFFFF  }
0x67: {  	s20 =	sadd.s32 $0x380, s18;
	s16 =	simm.s32 $0x10;
	(ifvalue) =	ssetifvalue $0x7FFFFFFF  }
.LBB2_3:
0x68: {  	[tilespmem:s20], [sflag:$0x1] =	stream.indirect_vreg.gather [hbm4b:s2+s10], $0x1, v1, vm0, $0x4038;
	[tilespmem:$0x900] =	vst v63  }
0x69: {  	s18 =	smov.u32 s19  }
0x6a: {  	s21 =	sadd.s32 s16, s14;
	s20 =	sshra.s32 s18, $0x2;
	s18 =	sadd.s32 $0x40, s19  }
0x6b: {  	p1 =	sne.s32 s19, $0x1C0;
	v1 =	vld.msk [tilespmem:s21+$0x0 ss:$0x1], $0xffff  }
0x6c: {  	(ifvalue) =	ssetifvalue $0x7FFFFFFF;
	_ =	sdelay $0x4  }
0x6d: {  	vm1 =	vgt.s32 v1, $0x0  }
0x6e: {  	p2 =	sgt.s32 s17, $0x0;
	s19 =	smov.u32 s17;
	v1 =	vnsel vm1, $0x0, v1  }
0x6f: {  	s19 =	simm.s32 @!p2 $0x0;
	v1 =	vmin.u32 v1, $0x553FF  }
0x70: {  	s19 =	smin.u32 s19, $0x10;
	v2 =	vshll.u32 v1, $0x3  }
0x71: {  	v3 =	vmov s19;
	v1 =	vand.u32 $0x7F, v1;
	v2 =	vand.u32 $0x3FFC00, v2  }
0x72: {  	vm1 =	vgt.u32 v3, v0;
	v1 =	vor.u32 v1, v2  }
0x73: {  	v2 =	vnsel vm1, $0x7FFFFFFF, v1;
	v3 =	vor.u32 $0x80, v1;
	v4 =	vor.u32 $0x100, v1  }
0x74: {  	v5 =	vor.u32 $0x180, v1;
	v6 =	vor.u32 $0x200, v1;
	v7 =	vor.u32 $0x280, v1  }
0x75: {  	v8 =	vor.u32 $0x300, v1;
	v1 =	vor.u32 $0x380, v1  }
0x76: {  	v3 =	vnsel vm1, $0x7FFFFFFF, v3  }
0x77: {  	s19 =	sadd.s32 s16, s15;
	s16 =	smov.u32 s20;
	(ifvalue) =	ssetifvalue $0x7FFFFFFF  }
0x78: {  	[tilespmem:s19], [sflag:$0x1] =	stream.indirect_vreg.gather [hbm4b:s2+s10], $0x1, v2, vm0, $0x4038;
	[tilespmem:$0x900] =	vst v63  }
0x79: {  	v2 =	vnsel vm1, $0x7FFFFFFF, v4;
	(ifvalue) =	ssetifvalue $0x7FFFFFFF  }
0x7a: {  	s20 =	sadd.s32 $0x80, s19;
	(ifvalue) =	ssetifvalue $0x7FFFFFFF  }
0x7b: {  	[tilespmem:s20], [sflag:$0x1] =	stream.indirect_vreg.gather [hbm4b:s2+s10], $0x1, v3, vm0, $0x4038;
	[tilespmem:$0x900] =	vst v63  }
0x7c: {  	v3 =	vnsel vm1, $0x7FFFFFFF, v5;
	(ifvalue) =	ssetifvalue $0x7FFFFFFF  }
0x7d: {  	s20 =	sadd.s32 $0x100, s19;
	(ifvalue) =	ssetifvalue $0x7FFFFFFF  }
0x7e: {  	[tilespmem:s20], [sflag:$0x1] =	stream.indirect_vreg.gather [hbm4b:s2+s10], $0x1, v2, vm0, $0x4038;
	[tilespmem:$0x900] =	vst v63  }
0x7f: {  	v2 =	vnsel vm1, $0x7FFFFFFF, v6;
	(ifvalue) =	ssetifvalue $0x7FFFFFFF  }
0x80: {  	s20 =	sadd.s32 $0x180, s19;
	(ifvalue) =	ssetifvalue $0x7FFFFFFF  }
0x81: {  	[tilespmem:s20], [sflag:$0x1] =	stream.indirect_vreg.gather [hbm4b:s2+s10], $0x1, v3, vm0, $0x4038;
	[tilespmem:$0x900] =	vst v63  }
0x82: {  	v3 =	vnsel vm1, $0x7FFFFFFF, v7;
	(ifvalue) =	ssetifvalue $0x7FFFFFFF  }
0x83: {  	s20 =	sadd.s32 $0x200, s19;
	(ifvalue) =	ssetifvalue $0x7FFFFFFF  }
0x84: {  	[tilespmem:s20], [sflag:$0x1] =	stream.indirect_vreg.gather [hbm4b:s2+s10], $0x1, v2, vm0, $0x4038;
	[tilespmem:$0x900] =	vst v63  }
0x85: {  	v2 =	vnsel vm1, $0x7FFFFFFF, v8;
	(ifvalue) =	ssetifvalue $0x7FFFFFFF  }
0x86: {  	s20 =	sadd.s32 $0x280, s19;
	(ifvalue) =	ssetifvalue $0x7FFFFFFF  }
0x87: {  	[tilespmem:s20], [sflag:$0x1] =	stream.indirect_vreg.gather [hbm4b:s2+s10], $0x1, v3, vm0, $0x4038;
	[tilespmem:$0x900] =	vst v63  }
.Ltmp3:
0x88: {  	v1 =	vnsel vm1, $0x7FFFFFFF, v1;
	(ifvalue) =	ssetifvalue $0x7FFFFFFF;
	(pc) =	sbr.rel @p1 .LBB2_3-.Ltmp3, $4  }
0x89: {  	s20 =	sadd.s32 $0x300, s19;
	(ifvalue) =	ssetifvalue $0x7FFFFFFF  }
0x8a: {  	[tilespmem:s20], [sflag:$0x1] =	stream.indirect_vreg.gather [hbm4b:s2+s10], $0x1, v2, vm0, $0x4038;
	[tilespmem:$0x900] =	vst v63  }
0x8b: {  	s17 =	sadd.s32 $0xFFFFFFF0, s17;
	(ifvalue) =	ssetifvalue $0x7FFFFFFF  }
0x8c: {  	s20 =	sadd.s32 $0x380, s19;
	s19 =	smov.u32 s18;
	(ifvalue) =	ssetifvalue $0x7FFFFFFF  }
.Ltmp4:
0x8d: {  	_ = 	snop;
	(pc) =	sbr.rel .LBB2_4-.Ltmp4, $1  }
0x8e: {  	_ =	sdelay $0x3  }
.LBB2_6:
0x8f: {  	_ =	sfence.sel $0x180000  }
0x90: {  	s2 =	simm.s32 $0x2;
	[bflag:$0x0] =	sbarrier.arrive $0xFFFF  }
0x91: {  	s30 =	simm.s32 $0x3;
	[sflag:s2] =	ssyncpa.u1 $0x1  }
0x92: {  	s31 =	simm.s32 $0x1;
	[sflag:s30] =	ssyncpa.u1 $0x1  }
0x93: {  	[sflag:s31] =	ssyncpa.u1 $0x1  }
0x94: {  	p0 =	sne.s32 s0, $0x0;
	_ =	strace $0x9000004A  }
0x95: {  	s0 =	sadd.s32 @!p0 $0x100000, s1;
	[bflag:$0x2] =	sbarrier.arrive $0xFFFF  }
0x96: {  	[sflag:s0] =	ssyncadd.tile.s32 @!p0 $0x1;
	_ =	shalt  }
.Lfunc_end2:
_tile_overlayer_lowered:
.L_overlay_start_2:
0x97: {  	(tag) =	ssettag $0x2  }
0x98: {  	s0 =	rddreg [dreg:$0x0];
	s2 =	stileid.u32  }
0x99: {  	s1 =	rddreg [dreg:$0x1];
	p0 =	sne.s32 s2, $0x0  }
0x9a: {  	s3 =	rddreg [dreg:$0x2];
	[bflag:$0x3] =	sbarrier.arrive $0xFFFF;
	s2 =	simm.s32 @!p0 $0x1C01  }
0x9b: {  	[timem:s3], [sflag:s2] =	dma.local @!p0 [hbm:s0], s1  }
0x9c: {  	s0 =	simm.s32 @!p0 $0x1  }
0x9d: {  	_ =	swait.ge @!p0 [sflag:s0], s1  }
0x9e: {  	s1 =	ssub.s32 @!p0 $0x0, s1;
	[sflag:s0] =	ssyncset.done @!p0 $0x0  }
0x9f: {  	[sflag:s0] =	ssyncadd.s32 @!p0 s1  }
0xa0: {  	[bflag:$0x3] =	sbarrier.arrive $0xFFFF  }
0xa1: {  	_ =	shalt  }

// kernel: gather_offload_async_start.2
scs
__scs_entry_jumppad:
0x0: {  	(pc) =	sbr.rel $0x88, $3  }
0x1: {  	(tag) =	ssettag $0x0;
	lr =	simm.s32 $0x1  }
0x2: {  	[smem:$0x3F9B] =	sst lr;
	_ =	strace $0xD0000000  }
0x3: {  	_ = 	snop  }
0x4: {  	_ = 	snop  }
0x5: {  	_ = 	snop  }
0x6: {  	_ = 	snop  }
0x7: {  	_ = 	snop  }
__scs_overlays_trampoline_lowered:
0x8: {  	[smem:$0x3FAA] =	sst s0  }
0x9: {  	[smem:$0x3FAB] =	sst s1  }
0xa: {  	[smem:$0x3FAC] =	sst s2  }
0xb: {  	[smem:$0x3FAD] =	sst s3  }
0xc: {  	[smem:$0x3FAE] =	sst s4  }
0xd: {  	[smem:$0x3FAF] =	sst s5  }
0xe: {  	[smem:$0x3FB0] =	sst s6  }
0xf: {  	[smem:$0x3FB1] =	sst s7  }
0x10: {  	[smem:$0x3FB2] =	sst s8  }
0x11: {  	[smem:$0x3FB3] =	sst s9;
	s0 =	simm.s32 @!p0 $0x0  }
0x12: {  	s1 =	sld [smem:$0x3F99];
	s0 =	simm.s32 @p0 $0x1  }
0x13: {  	[smem:$0x3FB4] =	sst s0;
	s0 =	simm.s32 @!p1 $0x0  }
0x14: {  	s2 =	sld [smem:$0x3F98];
	s0 =	simm.s32 @p1 $0x1  }
0x15: {  	[smem:$0x3FB5] =	sst s0;
	s0 =	simm.s32 @!p2 $0x0  }
0x16: {  	s3 =	sld [smem:$0x3FDB];
	s0 =	simm.s32 @p2 $0x1  }
0x17: {  	s4 =	simm.s32 $0x1BF5;
	[smem:$0x3FB7] =	sst s0  }
0x18: {  	s0 =	sld [smem:$0x3F9A];
	_ =	swait.ge [sflag:s4], $0x0  }
0x19: {  	s7 =	sld [smem:$0x3F9B]  }
0x1a: {  	s8 =	sadd.s32 $0xFFFFE003, lr  }
0x1b: {  	s9 =	sadd.s32 $0xFFFFFEF7, lr;
	s5 =	simm.s32 $0xFFFFFFFF;
	p2 =	slt.u32 s8, $0xFFFFF086  }
0x1c: {  	p1 =	slt.u32 s9, $0xF7A;
	s5 =	simm.s32 @!p2 $0x0  }
0x1d: {  	s5 =	simm.s32 @p1 $0x1;
	p0 =	seq.s32 s7, s2  }
0x1e: {  	s7 =	smul.u32 @!p0 $0xF7A, s2;
	p2 =	seq.s32 @!p0 s5, $0x0  }
0x1f: {  	s9 =	smul.u32 $0xF7A, s1;
	s8 =	simm.s32 @!p0 $0x1BF5;
	p2 =	por !p2, p0  }
0x20: {  	[sflag:s8] =	ssyncset.s32 @!p0 $0xFFFFF086;
	s6 =	sadd.s32 @!p0 s3, s7;
	s7 =	simm.s32 @!p0 $0x108  }
0x21: {  	s3 =	sadd.s32 s3, s9;
	s6 =	sadd.s32 @!p0 $0x88, s6;
	s7 =	simm.s32 @p2 $0x1082  }
0x22: {  	[simem:s7], [sflag:s8] =	dma.local @!p0 [hbm:s6], $0xF7A  }
0x23: {  	s9 =	sor.u32 $0xD0000000, s2;
	s6 =	simm.s32 $0x108;
	_ =	swait.ge @!p0 [sflag:s8], $0x0  }
0x24: {  	s3 =	sadd.s32 $0x88, s3;
	s6 =	simm.s32 @!p1 $0x1082;
	[sflag:s4] =	ssyncset.s32 $0xFFFFF086  }
0x25: {  	[simem:s6], [sflag:s4] =	dma.local [hbm:s3], $0xF7A  }
0x26: {  	[smem:$0x3F9B] =	sst s1;
	(tag) =	ssettag s2;
	_ =	strace s9  }
0x27: {  	s1 =	sld [smem:$0x3FAB]  }
0x28: {  	s2 =	sld [smem:$0x3FAC]  }
0x29: {  	s4 =	sld [smem:$0x3FAE]  }
0x2a: {  	p0 =	seq.s32 s5, $0x0;
	s5 =	sld [smem:$0x3FAF]  }
0x2b: {  	s6 =	sld [smem:$0x3FB0]  }
0x2c: {  	s7 =	sld [smem:$0x3FB1]  }
0x2d: {  	s3 =	simm.s32 $0x108;
	s8 =	sld [smem:$0x3FB2]  }
0x2e: {  	s3 =	simm.s32 @!p0 $0x1082;
	s9 =	sld [smem:$0x3FB3]  }
0x2f: {  	lr =	sadd.s32 s0, s3;
	s0 =	sld [smem:$0x3FAA]  }
0x30: {  	s3 =	sld [smem:$0x3FAD]  }
0x31: {  	[smem:$0x3FB6] =	sst s10  }
0x32: {  	s10 =	sld [smem:$0x3FB4];
	_ =	sdelay $0x3  }
0x33: {  	p0 =	seq.s32 s10, $0x1;
	s10 =	sld [smem:$0x3FB6];
	_ =	sdelay $0x3  }
0x34: {  	[smem:$0x3FB6] =	sst s10  }
0x35: {  	s10 =	sld [smem:$0x3FB5];
	_ =	sdelay $0x3  }
0x36: {  	p1 =	seq.s32 s10, $0x1;
	s10 =	sld [smem:$0x3FB6];
	_ =	sdelay $0x3  }
0x37: {  	[smem:$0x3FB6] =	sst s10  }
0x38: {  	s10 =	sld [smem:$0x3FB7]  }
0x39: {  	_ = 	snop;
	(pc) =	sbr.ind lr, $3  }
0x3a: {  	_ = 	snop  }
0x3b: {  	_ = 	snop  }
0x3c: {  	p2 =	seq.s32 s10, $0x1;
	s10 =	sld [smem:$0x3FB6]  }
0x3d: {  	_ =	shalt  }
0x3e: {  	_ =	shalt  }
0x3f: {  	_ =	shalt  }
0x40: {  	_ =	shalt  }
0x41: {  	_ =	shalt  }
0x42: {  	_ =	shalt  }
0x43: {  	_ =	shalt  }
0x44: {  	_ =	shalt  }
0x45: {  	_ =	shalt  }
0x46: {  	_ =	shalt  }
0x47: {  	_ =	shalt  }
0x48: {  	_ =	shalt  }
0x49: {  	_ =	shalt  }
0x4a: {  	_ =	shalt  }
0x4b: {  	_ =	shalt  }
0x4c: {  	_ =	shalt  }
0x4d: {  	_ =	shalt  }
0x4e: {  	_ =	shalt  }
0x4f: {  	_ =	shalt  }
0x50: {  	_ =	shalt  }
0x51: {  	_ =	shalt  }
0x52: {  	_ =	shalt  }
0x53: {  	_ =	shalt  }
0x54: {  	_ =	shalt  }
0x55: {  	_ =	shalt  }
0x56: {  	_ =	shalt  }
0x57: {  	_ =	shalt  }
0x58: {  	_ =	shalt  }
0x59: {  	_ =	shalt  }
0x5a: {  	_ =	shalt  }
0x5b: {  	_ =	shalt  }
0x5c: {  	_ =	shalt  }
0x5d: {  	_ =	shalt  }
0x5e: {  	_ =	shalt  }
0x5f: {  	_ =	shalt  }
0x60: {  	_ =	shalt  }
0x61: {  	_ =	shalt  }
0x62: {  	_ =	shalt  }
0x63: {  	_ =	shalt  }
0x64: {  	_ =	shalt  }
0x65: {  	_ =	shalt  }
0x66: {  	_ =	shalt  }
0x67: {  	_ =	shalt  }
0x68: {  	_ =	shalt  }
0x69: {  	_ =	shalt  }
0x6a: {  	_ =	shalt  }
0x6b: {  	_ =	shalt  }
0x6c: {  	_ =	shalt  }
0x6d: {  	_ =	shalt  }
0x6e: {  	_ =	shalt  }
0x6f: {  	_ =	shalt  }
0x70: {  	_ =	shalt  }
0x71: {  	_ =	shalt  }
0x72: {  	_ =	shalt  }
0x73: {  	_ =	shalt  }
0x74: {  	_ =	shalt  }
0x75: {  	_ =	shalt  }
0x76: {  	_ =	shalt  }
0x77: {  	_ =	shalt  }
0x78: {  	_ =	shalt  }
0x79: {  	_ =	shalt  }
0x7a: {  	_ =	shalt  }
0x7b: {  	_ =	shalt  }
0x7c: {  	_ =	shalt  }
0x7d: {  	_ =	shalt  }
0x7e: {  	_ =	shalt  }
0x7f: {  	_ =	shalt  }
0x80: {  	_ =	shalt  }
0x81: {  	_ =	shalt  }
0x82: {  	_ =	shalt  }
0x83: {  	_ =	shalt  }
0x84: {  	_ =	shalt  }
0x85: {  	_ =	shalt  }
0x86: {  	_ =	shalt  }
0x87: {  	_ =	shalt  }
.Lfunc_end0:
.L_simem_size_0:
called_computation.2_lowered:
.L_overlay_start_0:
0x88: {  	s0 =	sld [smem:$0x3FD9]  }
0x89: {  	s1 =	sld [smem:$0x3FFE];
	_ =	sdelay $0x3  }
0x8a: {  	s0 =	sadd.s32 s1, s0  }
0x8b: {  	[smem:$0x3FC2] =	sst s0  }
0x8c: {  	_ = 	snop  }
0x8d: {  	(tm) =	ssettm $0x1  }
0x8e: {  	s15 =	sld [smem:$0x3FFB];
	_ =	sdelay $0x3  }
0x8f: {  	_ =	strace s15  }
0x90: {  	s0 =	sld [smem:$0x3FFC];
	_ =	sdelay $0x3  }
0x91: {  	_ =	strace s0  }
0x92: {  	s0 =	sld [smem:$0x3FFD];
	_ =	sdelay $0x3  }
0x93: {  	_ =	strace s0  }
0x94: {  	_ =	strace $0x8FFFFFFF  }
0x95: {  	s16 =	sld [smem:$0x3FDB];
	_ =	sdelay $0x1  }
0x96: {  	s17 =	simm.s32 $_scs_section_size  }
0x97: {  	s2 =	simm.s32 $_size__tile_overlayer_lowered;
	s3 =	simm.s32 $_tile_overlayer_lowered  }
0x98: {  	s20 =	simm.s32 $0x1BFF;
	s19 =	sshll.u32 s3, $0x1;
	s0 =	sadd.s32 s17, s16  }
0x99: {  	s4 =	simm.s32 $0x0;
	s18 =	sshll.u32 s2, $0x1;
	s2 =	sadd.s32 s19, s0  }
0x9a: {  	[timem:s4], [sflag:s20] =	dma.local [hbm:s2], s18  }
0x9b: {  	_ =	swait.ge [sflag:s20], s18  }
0x9c: {  	s1 =	ssub.s32 $0x0, s18;
	[sflag:s20] =	ssyncset.done $0x0  }
0x9d: {  	[sflag:s20] =	ssyncadd.s32 s1;
	_ =	sdelay $0x1  }
0x9e: {  	s21 =	simm.s32 $0x1B8B  }
0x9f: {  	_ =	swait.ge [sflag:s21], $0x1  }
0xa0: {  	[sflag:s21] =	ssyncset.done $0x0  }
0xa1: {  	s23 =	simm.s32 $0x1B8E;
	s22 =	sld [smem:$0x3FFE];
	[sflag:s21] =	ssyncadd.s32 $0xFFFFFFFF  }
0xa2: {  	s24 =	simm.s32 $execute0_lowered;
	[smem:$0x3FD2] =	sst s23  }
0xa3: {  	s2 =	sshll.u32 s24, $0x1;
	_ =	strace $0x8000004C;
	[dreg:$0x1] =	wrdreg $0xFFFFFFFF  }
0xa4: {  	s25 =	simm.s32 $_size_execute0_lowered;
	s0 =	sadd.s32 s0, s2;
	[dreg:$0x0] =	wrdreg $0x0  }
0xa5: {  	s2 =	sshll.u32 s25, $0x1;
	[dreg:$0x2] =	wrdreg s0  }
0xa6: {  	[dreg:$0x3] =	wrdreg s2  }
0xa7: {  	[dreg:$0x4] =	wrdreg $0xC0  }
0xa8: {  	_ =	task [dreg:s4], $0x5FFFF  }
0xa9: {  	[dreg:$0x1] =	wrdreg $0xFFFFFFFF  }
0xaa: {  	[dreg:$0x0] =	wrdreg $0x60  }
0xab: {  	[dreg:$0x2] =	wrdreg s22  }
0xac: {  	[dreg:$0x3] =	wrdreg $0x9  }
0xad: {  	_ =	task.clear_ibuf [dreg:s4], $0x4FFFF;
	_ =	strace $0x9000004C  }
0xae: {  	s26 =	simm.s32 $0x9;
	_ =	strace $0x8000004E  }
0xaf: {  	_ =	swait.ge [sflag:s26], $0x1  }
0xb0: {  	[sflag:s26] =	ssyncadd.s32 $0xFFFFFFFF  }
0xb1: {  	_ =	strace $0x9000004E  }
0xb2: {  	_ =	sfence  }
0xb3: {  	s28 =	sld [smem:$0x0];
	_ =	sdelay $0x1  }
0xb4: {  	s29 =	srdreg.scid  }
0xb5: {  	s30 =	sshll.u32 s29, $0xD;
	s31 =	sshrl.u32 s29, $0x2  }
0xb6: {  	s1 =	sand.u32 $0x1, s29;
	s2 =	sand.u32 $0x4000, s30;
	s0 =	sadd.s32 s31, s28  }
0xb7: {  	s1 =	sor.u32 s2, s1;
	s0 =	sshll.u32 s0, $0x11  }
0xb8: {  	s0 =	sor.u32 s0, s1  }
0xb9: {  	s0 =	sadd.s32 $0x8F2B, s0  }
0xba: {  	[sflag:s0] =	ssyncadd.remote.s32 $0x1  }
0xbb: {  	_ =	sfence.sel $0xFFFF  }
0xbc: {  	[dreg:$0x0] =	wrdreg $0xFFFFFFFF;
	(pc) =	sbr.abs _section_cstart, $3  }
0xbd: {  	[dreg:$0x1] =	wrdreg $0xFFFFFFFF  }
0xbe: {  	_ =	task.clear_ibuf [dreg:s4], $0x2FFFF;
	_ =	strace $0x9FFFFFFF  }
0xbf: {  	(tm) =	ssettm $0x7FFFFFFF  }
tec
execute0_lowered:
.L_overlay_start_1:
0x0: {  	(tag) =	ssettag $0x1  }
0x1: {  	s0 =	stileid.u32  }
0x2: {  	s3 =	simm.s32 $0x1600;
	s1 =	smul.u32 $0xA, s0  }
0x3: {  	s7 =	rddreg [dreg:$0x0];
	s10 =	simm.s32 $0x1;
	s2 =	smin.u32 s0, $0x4  }
0x4: {  	s6 =	simm.s32 $0x2;
	p0 =	slt.u32 s0, $0x4;
	s1 =	sadd.s32 s2, s1  }
0x5: {  	s11 =	simm.s32 $0x4;
	s3 =	simm.s32 @!p0 $0x1400;
	s2 =	sshll.u32 s1, $0x9  }
0x6: {  	s12 =	simm.s32 $0xFFFFF800;
	s13 =	simm.s32 $0xFFFFFE00;
	s1 =	sadd.s32 s3, s2  }
0x7: {  	s14 =	simm.s32 $0xFFFFFFFF;
	s18 =	simm.s32 $0x0;
	s3 =	smin.u32 s1, $0x14748  }
0x8: {  	s15 =	simm.s32 $0x0;
	s17 =	simm.s32 $0x0;
	s9 =	ssub.s32 s3, s2  }
0x9: {  	s4 =	sadd.s32 $0x1800, s7;
	s5 =	sadd.s32 $0x14C400, s7;
	p0 =	sgt.s32 s9, $0x0  }
0xa: {  	s1 =	rddreg [dreg:$0x1];
	_ =	strace $0x8000004D;
	s9 =	simm.s32 @!p0 $0x0  }
.Ltmp0:
0xb: {  	[sflag:s10] =	ssyncpa.u1 $0x0;
	s8 =	sand.u32 $0x148, s9;
	(pc) =	sbr.rel .LBB2_1-.Ltmp0, $4  }
0xc: {  	s7 =	sadd.s32 $0x14EE00, s7;
	[sflag:s6] =	ssyncpa.u1 $0x0;
	p0 =	sne.s32 s8, $0x0  }
0xd: {  	s9 =	sshrl.u32 s9, $0x9;
	s8 =	simm.s32 $0x3;
	s10 =	simm.s32 @!p0 $0x0  }
0xe: {  	s16 =	smov.u32 s2;
	[sflag:s8] =	ssyncpa.u1 $0x0;
	s9 =	sadd.s32 s10, s9  }
0xf: {  	v0 =	vlaneseq.u32;
	vm0 =	vmmov $0xffff;
	[sflag:s11] =	ssyncpa.u1 $0x0;
	s11 =	simm.s32 $0x0;
	s10 =	sadd.s32 $0x2, s9  }
.LBB2_7:
0x10: {  	p0 =	slt.u32 s17, $0x3  }
0x11: {  	s18 =	simm.s32 @!p0 $0x4  }
0x12: {  	_ =	swait.ge @!p0 [sflag:s18], $0x80  }
0x13: {  	s19 =	sadd.s32 $0x200, s16;
	[sflag:s18] =	ssyncset.done @!p0 $0x0  }
0x14: {  	s20 =	smov.u32 s2;
	[sflag:s18] =	ssyncadd.s32 @!p0 $0xFFFFFF80;
	p0 =	slt.s32 s19, s3  }
0x15: {  	s20 =	smov.u32 @p0 s19;
	p0 =	sne.s32 s17, s10  }
.Ltmp1:
0x16: {  	_ = 	snop;
	(pc) =	sbr.rel @!p0 .LBB2_8-.Ltmp1, $4  }
0x17: {  	_ = 	snop  }
0x18: {  	s31 =	sadd.s32 $0x1, s17;
	s12 =	sadd.s32 $0x800, s12  }
0x19: {  	s13 =	sadd.s32 $0x200, s13;
	s14 =	sadd.s32 $0x1, s14;
	s18 =	smov.u32 s15  }
0x1a: {  	s15 =	smov.u32 s16;
	s17 =	smov.u32 s31;
	s16 =	smov.u32 s20  }
.LBB2_1:
0x1b: {  	p0 =	sge.u32 s17, s9  }
0x1c: {  	s19 =	smulhi.u32 @!p0 $0xAAAAAAAB, s17;
	_ =	sdelay $0x1  }
0x1d: {  	s19 =	sshrl.u32 @!p0 s19, $0x1  }
0x1e: {  	s19 =	smul.u32 @!p0 $0x3, s19;
	_ =	sdelay $0x1  }
0x1f: {  	s31 =	sadd.s32 $0xFFFFFFFF, s17;
	s20 =	sshrl.u32 @!p0 s16, $0x3;
	s19 =	ssub.s32 @!p0 s17, s19  }
0x20: {  	s21 =	sand.u32 @!p0 $0x7, s16;
	s20 =	sadd.s32 @!p0 s5, s20;
	s19 =	sshll.u32 @!p0 s19, $0x9  }
0x21: {  	[tilespmem:s19], [sflag:$0x2] =	stream.linear.gather @!p0 [hbm4b:s20+s21], $0x200, $0x38;
	[tilespmem:$0xB00] =	vst v63  }
0x22: {  	p0 =	sge.u32 s31, s9  }
.Ltmp2:
0x23: {  	_ = 	snop;
	(pc) =	sbr.rel @p0 .LBB2_5-.Ltmp2, $1  }
0x24: {  	_ =	sdelay $0x3  }
0x25: {  	s19 =	smulhi.u32 $0xAAAAAAAB, s14;
	_ =	sdelay $0x1  }
0x26: {  	s19 =	sshrl.u32 s19, $0x1  }
0x27: {  	s19 =	smul.u32 $0xFFFFE800, s19;
	_ =	sdelay $0x1  }
0x28: {  	_ =	swait.ge [sflag:s6], $0x200;
	s19 =	sshra.s32 s19, $0x2  }
0x29: {  	[sflag:s6] =	ssyncset.done $0x0;
	s21 =	sadd.s32 s19, s13  }
0x2a: {  	[sflag:s6] =	ssyncadd.s32 $0xFFFFFE00;
	(ifvalue) =	ssetifvalue $0x7FFFFFFF;
	v1 =	vld.msk [tilespmem:s21+$0x0 ss:$0x1], $0xffff;
	_ =	sdelay $0x4  }
0x2b: {  	s22 =	ssub.s32 $0x14748, s15;
	v2 =	vshrl.u32 v1, $0xC  }
0x2c: {  	p0 =	slt.s32 s22, $0x200;
	s19 =	sadd.s32 $0x10, s21;
	vm1 =	veq.s32 v1, $0x80000000;
	v2 =	vand.u32 $0x1F, v2  }
0x2d: {  	s22 =	simm.s32 @!p0 $0x200;
	v1 =	vand.u32 $0xFFF, v1;
	v3 =	vsel vm1, $0xFFFFFFFF, v2;
	v2 =	vld.msk [tilespmem:s19+$0x0 ss:$0x1], $0xffff  }
0x2e: {  	p0 =	sgt.s32 s22, $0x0;
	s20 =	smov.u32 s22;
	v1 =	vsel vm1, $0xFFFFFFFF, v1;
	v4 =	vshrl.u32 v3, $0x3  }
0x2f: {  	s20 =	simm.s32 @!p0 $0x0;
	v5 =	vshll.u32 v1, $0x3;
	v1 =	vshll.u32 v1, $0x2;
	v4 =	vmul.u32 $0x7000, v4  }
0x30: {  	s20 =	smin.u32 s20, $0x10;
	v5 =	vand.u32 $0xFFFFFC00, v5;
	v6 =	vshll.u32 v3, $0x7;
	v1 =	vand.u32 $0x1FC, v1  }
0x31: {  	v4 =	vadd.s32 v5, v4;
	v5 =	vand.u32 $0x200, v6;
	v6 =	vmov s20  }
0x32: {  	v4 =	vor.u32 v5, v4;
	v5 =	vshrl.u32 v2, $0xC;
	vm1 =	vgt.u32 v6, v0  }
0x33: {  	s20 =	sadd.s32 $0x10, s19;
	vm2 =	veq.s32 v2, $0x80000000;
	v1 =	vor.u32 v1, v4;
	v4 =	vand.u32 $0x1F, v5  }
0x34: {  	v6 =	vand.u32 $0xFFF, v2;
	v2 =	vld.msk [tilespmem:s20+$0x0 ss:$0x1], $0xffff;
	v5 =	vshrl.u32 v1, $0x2;
	v1 =	vsel vm2, $0xFFFFFFFF, v4  }
0x35: {  	v4 =	vnsel vm1, $0x7FFFFFFF, v5;
	v5 =	vsel vm2, $0xFFFFFFFF, v6;
	v6 =	vshrl.u32 v1, $0x3  }
0x36: {  	s22 =	sadd.s32 $0xFFFFFFF0, s22;
	v6 =	vmul.u32 $0x7000, v6;
	v7 =	vshll.u32 v5, $0x3  }
0x37: {  	s23 =	sshrl.u32 s12, $0x2;
	p0 =	sgt.s32 s22, $0x0;
	s24 =	smov.u32 s22;
	v3 =	vand.u32 $0x3, v3;
	v8 =	vshll.u32 v1, $0x7;
	v7 =	vand.u32 $0xFFFFFC00, v7  }
0x38: {  	s23 =	sand.u32 $0x200, s23;
	s24 =	simm.s32 @!p0 $0x0;
	[tilespmem:s21+$0x0] =	vst v3;
	v5 =	vshll.u32 v5, $0x2;
	v3 =	vadd.s32 v7, v6;
	v6 =	vand.u32 $0x200, v8  }
0x39: {  	s31 =	smin.u32 s24, $0x10;
	s21 =	sadd.s32 $0x600, s23;
	(ifvalue) =	ssetifvalue $0x7FFFFFFF;
	v5 =	vand.u32 $0x1FC, v5;
	vm2 =	veq.s32 v2, $0x80000000;
	v3 =	vor.u32 v6, v3  }
0x3a: {  	v7 =	vmov s31;
	[tilespmem:s21], [sflag:$0x3] =	stream.indirect_vreg.gather [hbm4b:s4+s11], $0x1, v4, vm0, $0x4038;
	v4 =	vshrl.u32 v2, $0xC;
	v3 =	vor.u32 v5, v3;
	[tilespmem:$0xB00] =	vst v63  }
0x3b: {  	s23 =	simm.s32 $0x20;
	s24 =	sadd.s32 $0x10, s20;
	vm1 =	vgt.u32 v7, v0;
	v4 =	vand.u32 $0x1F, v4;
	v3 =	vshrl.u32 v3, $0x2  }
.LBB2_3:
0x3c: {  	s23 =	sadd.s32 $0x10, s23;
	v5 =	vand.u32 $0xFFF, v2;
	v2 =	vld.msk [tilespmem:s24+$0x0 ss:$0x1], $0xffff;
	v4 =	vsel vm2, $0xFFFFFFFF, v4;
	v3 =	vnsel vm1, $0x7FFFFFFF, v3  }
0x3d: {  	s22 =	sadd.s32 $0xFFFFFFF0, s22;
	p0 =	slt.u32 s23, $0x1F0;
	v5 =	vsel vm2, $0xFFFFFFFF, v5;
	v6 =	vshrl.u32 v4, $0x3  }
0x3e: {  	p1 =	sgt.s32 s22, $0x0;
	s25 =	smov.u32 s22;
	v6 =	vmul.u32 $0x7000, v6;
	v7 =	vshll.u32 v5, $0x3  }
.Ltmp3:
0x3f: {  	v9 =	vand.u32 $0x3, v1;
	v8 =	vshll.u32 v4, $0x7;
	v1 =	vmovc v4;
	s25 =	simm.s32 @!p1 $0x0;
	v7 =	vand.u32 $0xFFFFFC00, v7;
	(pc) =	sbr.rel @p0 .LBB2_3-.Ltmp3, $4  }
0x40: {  	s21 =	sadd.s32 $0x10, s21;
	v5 =	vshll.u32 v5, $0x2;
	s25 =	smin.u32 s25, $0x10;
	v4 =	vadd.s32 v7, v6;
	v6 =	vand.u32 $0x200, v8;
	[tilespmem:s19+$0x0] =	vst v9;
	(ifvalue) =	ssetifvalue $0x7FFFFFFF  }
0x41: {  	v5 =	vand.u32 $0x1FC, v5;
	v7 =	vmov s25;
	v4 =	vor.u32 v6, v4;
	[tilespmem:s21], [sflag:$0x3] =	stream.indirect_vreg.gather [hbm4b:s4+s11], $0x1, v3, vm0, $0x4038;
	[tilespmem:$0xB00] =	vst v63  }
0x42: {  	s19 =	smov.u32 s20;
	s20 =	smov.u32 s24;
	v3 =	vshrl.u32 v2, $0xC;
	vm1 =	vgt.u32 v7, v0;
	v5 =	vor.u32 v5, v4  }
0x43: {  	s24 =	sadd.s32 $0x10, s24;
	vm2 =	veq.s32 v2, $0x80000000;
	v4 =	vand.u32 $0x1F, v3;
	v3 =	vshrl.u32 v5, $0x2  }
0x44: {  	v2 =	vand.u32 $0xFFF, v2;
	v4 =	vsel vm2, $0xFFFFFFFF, v4  }
0x45: {  	v2 =	vsel vm2, $0xFFFFFFFF, v2;
	v5 =	vshrl.u32 v4, $0x3  }
0x46: {  	s22 =	sadd.s32 $0xFFFFFFF0, s22;
	v5 =	vmul.u32 $0x7000, v5;
	v6 =	vshll.u32 v2, $0x3  }
0x47: {  	p0 =	sgt.s32 s22, $0x0;
	v7 =	vshll.u32 v4, $0x7;
	v6 =	vand.u32 $0xFFFFFC00, v6  }
0x48: {  	s22 =	simm.s32 @!p0 $0x0;
	v62 =	vand.u32 $0x200, v7;
	v2 =	vshll.u32 v2, $0x2;
	v5 =	vadd.s32 v6, v5  }
0x49: {  	s22 =	smin.u32 s22, $0x10;
	v2 =	vand.u32 $0x1FC, v2;
	v5 =	vor.u32 v62, v5  }
0x4a: {  	v3 =	vnsel vm1, $0x7FFFFFFF, v3;
	v63 =	vmov s22;
	v2 =	vor.u32 v2, v5  }
0x4b: {  	vm1 =	vgt.u32 v63, v0;
	v2 =	vshrl.u32 v2, $0x2  }
0x4c: {  	v2 =	vnsel vm1, $0x7FFFFFFF, v2  }
0x4d: {  	v1 =	vand.u32 $0x3, v1  }
0x4e: {  	s31 =	sadd.s32 $0x10, s21;
	[tilespmem:s19+$0x0] =	vst v1;
	(ifvalue) =	ssetifvalue $0x7FFFFFFF  }
0x4f: {  	v1 =	vand.u32 $0x3, v4;
	[tilespmem:s31], [sflag:$0x3] =	stream.indirect_vreg.gather [hbm4b:s4+s11], $0x1, v3, vm0, $0x4038;
	[tilespmem:$0xB00] =	vst v63  }
0x50: {  	s19 =	sadd.s32 $0x10, s31;
	[tilespmem:s20+$0x0] =	vst v1;
	(ifvalue) =	ssetifvalue $0x7FFFFFFF  }
0x51: {  	[tilespmem:s19], [sflag:$0x3] =	stream.indirect_vreg.gather [hbm4b:s4+s11], $0x1, v2, vm0, $0x4038;
	[tilespmem:$0xB00] =	vst v63  }
.LBB2_5:
0x52: {  	p0 =	slt.u32 s17, $0x2  }
0x53: {  	p1 =	sge.u32 @!p0 s17, s10  }
0x54: {  	p0 =	por p0, p1  }
.Ltmp4:
0x55: {  	_ = 	snop;
	(pc) =	sbr.rel @p0 .LBB2_7-.Ltmp4, $1  }
0x56: {  	_ =	sdelay $0x3  }
0x57: {  	s19 =	sadd.s32 $0xFFFFFFFE, s17  }
0x58: {  	s20 =	smulhi.u32 $0xAAAAAAAB, s19  }
0x59: {  	_ =	swait.ge [sflag:s8], $0x200  }
0x5a: {  	s21 =	sand.u32 $0x1, s17;
	[sflag:s8] =	ssyncset.done $0x0;
	s20 =	sshrl.u32 s20, $0x1  }
0x5b: {  	s28 =	sshll.u32 s21, $0x9;
	[sflag:s8] =	ssyncadd.s32 $0xFFFFFE00;
	s20 =	smul.u32 $0x3, s20  }
0x5c: {  	v1 =	vld [tilespmem:s28+$0x600]  }
0x5d: {  	v3 =	vld [tilespmem:s28+$0x680];
	s20 =	ssub.s32 s19, s20  }
0x5e: {  	v6 =	vld [tilespmem:s28+$0x700];
	s20 =	sshll.u32 s20, $0x9  }
0x5f: {  	v2 =	vld [tilespmem:s20+$0x0]  }
0x60: {  	v4 =	vld [tilespmem:s20+$0x80]  }
0x61: {  	v5 =	vld [tilespmem:s20+$0x100]  }
0x62: {  	v7 =	vld [tilespmem:s20+$0x180];
	_ =	sdelay $0x1  }
0x63: {  	v8 =	vld [tilespmem:s28+$0x780]  }
0x64: {  	v2 =	vshll.u32 v2, $0x3;
	v4 =	vshll.u32 v4, $0x3  }
0x65: {  	v1 =	vshrl.u32 v1, v2;
	v2 =	vshrl.u32 v3, v4;
	v3 =	vshll.u32 v5, $0x3  }
0x66: {  	v21 =	vshll.u32 v7, $0x3;
	v2 =	vshll.u32 v2, $0x8;
	v3 =	vshrl.u32 v6, v3  }
0x67: {  	v1 =	vand.u32 $0xFF, v1;
	v2 =	vand.u32 $0xFF00, v2;
	v3 =	vshll.u32 v3, $0x10  }
0x68: {  	v1 =	vor.u32 v1, v2;
	v2 =	vand.u32 $0xFF0000, v3;
	v3 =	vshrl.u32 v8, v21  }
0x69: {  	v1 =	vor.u32 v2, v1;
	v2 =	vshll.u32 v3, $0x18  }
0x6a: {  	s21 =	sshll.u32 s21, $0x7;
	v1 =	vor.u32 v2, v1  }
0x6b: {  	[tilespmem:s21+$0xA00] =	vst v1  }
0x6c: {  	v1 =	vld [tilespmem:s28+$0x610]  }
0x6d: {  	v2 =	vld [tilespmem:s20+$0x10]  }
0x6e: {  	v3 =	vld [tilespmem:s28+$0x690]  }
0x6f: {  	v22 =	vld [tilespmem:s20+$0x90]  }
0x70: {  	v23 =	vld [tilespmem:s20+$0x110]  }
0x71: {  	v24 =	vld [tilespmem:s28+$0x710]  }
0x72: {  	v25 =	vld [tilespmem:s20+$0x190];
	_ =	sdelay $0x1  }
0x73: {  	v26 =	vld [tilespmem:s28+$0x790]  }
0x74: {  	v2 =	vshll.u32 v2, $0x3;
	v4 =	vshll.u32 v22, $0x3  }
0x75: {  	v1 =	vshrl.u32 v1, v2;
	v2 =	vshrl.u32 v3, v4;
	v3 =	vshll.u32 v23, $0x3  }
0x76: {  	v27 =	vshll.u32 v25, $0x3;
	v2 =	vshll.u32 v2, $0x8;
	v3 =	vshrl.u32 v24, v3  }
0x77: {  	v1 =	vand.u32 $0xFF, v1;
	v2 =	vand.u32 $0xFF00, v2;
	v3 =	vshll.u32 v3, $0x10  }
0x78: {  	v1 =	vor.u32 v1, v2;
	v2 =	vand.u32 $0xFF0000, v3;
	v3 =	vshrl.u32 v26, v27  }
0x79: {  	v1 =	vor.u32 v2, v1;
	v2 =	vshll.u32 v3, $0x18  }
0x7a: {  	v1 =	vor.u32 v2, v1  }
0x7b: {  	[tilespmem:s21+$0xA10] =	vst v1  }
0x7c: {  	v1 =	vld [tilespmem:s28+$0x620]  }
0x7d: {  	v2 =	vld [tilespmem:s20+$0x20]  }
0x7e: {  	v3 =	vld [tilespmem:s28+$0x6A0]  }
0x7f: {  	v28 =	vld [tilespmem:s20+$0xA0]  }
0x80: {  	v29 =	vld [tilespmem:s20+$0x120]  }
0x81: {  	v30 =	vld [tilespmem:s28+$0x720]  }
0x82: {  	v31 =	vld [tilespmem:s20+$0x1A0];
	_ =	sdelay $0x1  }
0x83: {  	v32 =	vld [tilespmem:s28+$0x7A0]  }
0x84: {  	v2 =	vshll.u32 v2, $0x3;
	v4 =	vshll.u32 v28, $0x3  }
0x85: {  	v1 =	vshrl.u32 v1, v2;
	v2 =	vshrl.u32 v3, v4;
	v3 =	vshll.u32 v29, $0x3  }
0x86: {  	v33 =	vshll.u32 v31, $0x3;
	v2 =	vshll.u32 v2, $0x8;
	v3 =	vshrl.u32 v30, v3  }
0x87: {  	v1 =	vand.u32 $0xFF, v1;
	v2 =	vand.u32 $0xFF00, v2;
	v3 =	vshll.u32 v3, $0x10  }
0x88: {  	v1 =	vor.u32 v1, v2;
	v2 =	vand.u32 $0xFF0000, v3;
	v3 =	vshrl.u32 v32, v33  }
0x89: {  	v1 =	vor.u32 v2, v1;
	v2 =	vshll.u32 v3, $0x18  }
0x8a: {  	v1 =	vor.u32 v2, v1  }
0x8b: {  	[tilespmem:s21+$0xA20] =	vst v1  }
0x8c: {  	v1 =	vld [tilespmem:s28+$0x630]  }
0x8d: {  	v2 =	vld [tilespmem:s20+$0x30]  }
0x8e: {  	v3 =	vld [tilespmem:s28+$0x6B0]  }
0x8f: {  	v34 =	vld [tilespmem:s20+$0xB0]  }
0x90: {  	v35 =	vld [tilespmem:s20+$0x130]  }
0x91: {  	v36 =	vld [tilespmem:s28+$0x730]  }
0x92: {  	v37 =	vld [tilespmem:s20+$0x1B0];
	_ =	sdelay $0x1  }
0x93: {  	v38 =	vld [tilespmem:s28+$0x7B0]  }
0x94: {  	v2 =	vshll.u32 v2, $0x3;
	v4 =	vshll.u32 v34, $0x3  }
0x95: {  	v1 =	vshrl.u32 v1, v2;
	v2 =	vshrl.u32 v3, v4;
	v3 =	vshll.u32 v35, $0x3  }
0x96: {  	v39 =	vshll.u32 v37, $0x3;
	v2 =	vshll.u32 v2, $0x8;
	v3 =	vshrl.u32 v36, v3  }
0x97: {  	v1 =	vand.u32 $0xFF, v1;
	v2 =	vand.u32 $0xFF00, v2;
	v3 =	vshll.u32 v3, $0x10  }
0x98: {  	v1 =	vor.u32 v1, v2;
	v2 =	vand.u32 $0xFF0000, v3;
	v3 =	vshrl.u32 v38, v39  }
0x99: {  	v1 =	vor.u32 v2, v1;
	v2 =	vshll.u32 v3, $0x18  }
0x9a: {  	v1 =	vor.u32 v2, v1  }
0x9b: {  	[tilespmem:s21+$0xA30] =	vst v1  }
0x9c: {  	v1 =	vld [tilespmem:s28+$0x640]  }
0x9d: {  	v2 =	vld [tilespmem:s20+$0x40]  }
0x9e: {  	v3 =	vld [tilespmem:s28+$0x6C0]  }
0x9f: {  	v40 =	vld [tilespmem:s20+$0xC0]  }
0xa0: {  	v41 =	vld [tilespmem:s20+$0x140]  }
0xa1: {  	v42 =	vld [tilespmem:s28+$0x740]  }
0xa2: {  	v43 =	vld [tilespmem:s20+$0x1C0];
	_ =	sdelay $0x1  }
0xa3: {  	v44 =	vld [tilespmem:s28+$0x7C0]  }
0xa4: {  	v2 =	vshll.u32 v2, $0x3;
	v4 =	vshll.u32 v40, $0x3  }
0xa5: {  	v1 =	vshrl.u32 v1, v2;
	v2 =	vshrl.u32 v3, v4;
	v3 =	vshll.u32 v41, $0x3  }
0xa6: {  	v45 =	vshll.u32 v43, $0x3;
	v2 =	vshll.u32 v2, $0x8;
	v3 =	vshrl.u32 v42, v3  }
0xa7: {  	v1 =	vand.u32 $0xFF, v1;
	v2 =	vand.u32 $0xFF00, v2;
	v3 =	vshll.u32 v3, $0x10  }
0xa8: {  	v1 =	vor.u32 v1, v2;
	v2 =	vand.u32 $0xFF0000, v3;
	v3 =	vshrl.u32 v44, v45  }
0xa9: {  	v1 =	vor.u32 v2, v1;
	v2 =	vshll.u32 v3, $0x18  }
0xaa: {  	v1 =	vor.u32 v2, v1  }
0xab: {  	[tilespmem:s21+$0xA40] =	vst v1  }
0xac: {  	v1 =	vld [tilespmem:s28+$0x650]  }
0xad: {  	v2 =	vld [tilespmem:s20+$0x50]  }
0xae: {  	v3 =	vld [tilespmem:s28+$0x6D0]  }
0xaf: {  	v46 =	vld [tilespmem:s20+$0xD0]  }
0xb0: {  	v47 =	vld [tilespmem:s20+$0x150]  }
0xb1: {  	v48 =	vld [tilespmem:s28+$0x750]  }
0xb2: {  	v49 =	vld [tilespmem:s20+$0x1D0];
	_ =	sdelay $0x1  }
0xb3: {  	v50 =	vld [tilespmem:s28+$0x7D0]  }
0xb4: {  	v2 =	vshll.u32 v2, $0x3;
	v4 =	vshll.u32 v46, $0x3  }
0xb5: {  	v1 =	vshrl.u32 v1, v2;
	v2 =	vshrl.u32 v3, v4;
	v3 =	vshll.u32 v47, $0x3  }
0xb6: {  	v51 =	vshll.u32 v49, $0x3;
	v2 =	vshll.u32 v2, $0x8;
	v3 =	vshrl.u32 v48, v3  }
0xb7: {  	v1 =	vand.u32 $0xFF, v1;
	v2 =	vand.u32 $0xFF00, v2;
	v3 =	vshll.u32 v3, $0x10  }
0xb8: {  	v1 =	vor.u32 v1, v2;
	v2 =	vand.u32 $0xFF0000, v3;
	v3 =	vshrl.u32 v50, v51  }
0xb9: {  	v1 =	vor.u32 v2, v1;
	v2 =	vshll.u32 v3, $0x18  }
0xba: {  	v1 =	vor.u32 v2, v1  }
0xbb: {  	[tilespmem:s21+$0xA50] =	vst v1  }
0xbc: {  	v1 =	vld [tilespmem:s28+$0x660]  }
0xbd: {  	v2 =	vld [tilespmem:s20+$0x60]  }
0xbe: {  	v3 =	vld [tilespmem:s28+$0x6E0]  }
0xbf: {  	v52 =	vld [tilespmem:s20+$0xE0]  }
0xc0: {  	v53 =	vld [tilespmem:s20+$0x160]  }
0xc1: {  	v54 =	vld [tilespmem:s28+$0x760]  }
0xc2: {  	v55 =	vld [tilespmem:s20+$0x1E0];
	_ =	sdelay $0x1  }
0xc3: {  	v56 =	vld [tilespmem:s28+$0x7E0]  }
0xc4: {  	v2 =	vshll.u32 v2, $0x3;
	v4 =	vshll.u32 v52, $0x3  }
0xc5: {  	v1 =	vshrl.u32 v1, v2;
	v2 =	vshrl.u32 v3, v4;
	v3 =	vshll.u32 v53, $0x3  }
0xc6: {  	v57 =	vshll.u32 v55, $0x3;
	v2 =	vshll.u32 v2, $0x8;
	v3 =	vshrl.u32 v54, v3  }
0xc7: {  	v1 =	vand.u32 $0xFF, v1;
	v2 =	vand.u32 $0xFF00, v2;
	v3 =	vshll.u32 v3, $0x10  }
0xc8: {  	v1 =	vor.u32 v1, v2;
	v2 =	vand.u32 $0xFF0000, v3;
	v3 =	vshrl.u32 v56, v57  }
0xc9: {  	v1 =	vor.u32 v2, v1;
	v2 =	vshll.u32 v3, $0x18  }
0xca: {  	v1 =	vor.u32 v2, v1  }
0xcb: {  	[tilespmem:s21+$0xA60] =	vst v1  }
0xcc: {  	v1 =	vld [tilespmem:s28+$0x670]  }
0xcd: {  	v2 =	vld [tilespmem:s20+$0x70]  }
0xce: {  	v3 =	vld [tilespmem:s28+$0x6F0]  }
0xcf: {  	v58 =	vld [tilespmem:s20+$0xF0]  }
0xd0: {  	v59 =	vld [tilespmem:s20+$0x170]  }
0xd1: {  	v60 =	vld [tilespmem:s28+$0x770]  }
0xd2: {  	v61 =	vld [tilespmem:s20+$0x1F0];
	_ =	sdelay $0x1  }
0xd3: {  	v62 =	vld [tilespmem:s28+$0x7F0]  }
0xd4: {  	v2 =	vshll.u32 v2, $0x3;
	v4 =	vshll.u32 v58, $0x3  }
0xd5: {  	v1 =	vshrl.u32 v1, v2;
	v2 =	vshrl.u32 v3, v4;
	v3 =	vshll.u32 v59, $0x3  }
0xd6: {  	v63 =	vshll.u32 v61, $0x3;
	v3 =	vshrl.u32 v60, v3;
	v2 =	vshll.u32 v2, $0x8  }
0xd7: {  	v1 =	vand.u32 $0xFF, v1;
	v2 =	vand.u32 $0xFF00, v2;
	v3 =	vshll.u32 v3, $0x10  }
.Ltmp5:
0xd8: {  	v1 =	vor.u32 v1, v2;
	v2 =	vshrl.u32 v62, v63;
	v3 =	vand.u32 $0xFF0000, v3;
	(pc) =	sbr.rel .LBB2_7-.Ltmp5, $4  }
0xd9: {  	v1 =	vor.u32 v3, v1;
	v2 =	vshll.u32 v2, $0x18  }
0xda: {  	s29 =	sshrl.u32 s18, $0x2;
	s30 =	sshrl.u32 s18, $0x5;
	v1 =	vor.u32 v2, v1  }
0xdb: {  	s18 =	sadd.s32 s30, s7;
	s31 =	sor.u32 $0xA00, s21;
	s19 =	sand.u32 $0x7, s29;
	[tilespmem:s21+$0xA70] =	vst v1  }
0xdc: {  	[hbm4b:s18+s19] =	stream.linear.scatter [tilespmem:s31], [sflag:$0x4], $0x80, $0x38;
	[tilespmem:$0xB00] =	vst v63  }
.LBB2_8:
0xdd: {  	_ =	sfence.sel $0x180000  }
0xde: {  	s2 =	simm.s32 $0x2;
	[bflag:$0x0] =	sbarrier.arrive $0xFFFF  }
0xdf: {  	s29 =	simm.s32 $0x3;
	[sflag:s2] =	ssyncpa.u1 $0x1  }
0xe0: {  	s30 =	simm.s32 $0x4;
	[sflag:s29] =	ssyncpa.u1 $0x1  }
0xe1: {  	s31 =	simm.s32 $0x1;
	[sflag:s30] =	ssyncpa.u1 $0x1  }
0xe2: {  	[sflag:s31] =	ssyncpa.u1 $0x1  }
0xe3: {  	p0 =	sne.s32 s0, $0x0;
	_ =	strace $0x9000004D  }
0xe4: {  	s0 =	sadd.s32 @!p0 $0x100000, s1;
	[bflag:$0x2] =	sbarrier.arrive $0xFFFF  }
0xe5: {  	[sflag:s0] =	ssyncadd.tile.s32 @!p0 $0x1;
	_ =	shalt  }
.Lfunc_end2:
_tile_overlayer_lowered:
.L_overlay_start_2:
0xe6: {  	(tag) =	ssettag $0x2  }
0xe7: {  	s0 =	rddreg [dreg:$0x0];
	s2 =	stileid.u32  }
0xe8: {  	s1 =	rddreg [dreg:$0x1];
	p0 =	sne.s32 s2, $0x0  }
0xe9: {  	s3 =	rddreg [dreg:$0x2];
	[bflag:$0x3] =	sbarrier.arrive $0xFFFF;
	s2 =	simm.s32 @!p0 $0x1C01  }
0xea: {  	[timem:s3], [sflag:s2] =	dma.local @!p0 [hbm:s0], s1  }
0xeb: {  	s0 =	simm.s32 @!p0 $0x1  }
0xec: {  	_ =	swait.ge @!p0 [sflag:s0], s1  }
0xed: {  	s1 =	ssub.s32 @!p0 $0x0, s1;
	[sflag:s0] =	ssyncset.done @!p0 $0x0  }
0xee: {  	[sflag:s0] =	ssyncadd.s32 @!p0 s1  }
0xef: {  	[bflag:$0x3] =	sbarrier.arrive $0xFFFF  }
0xf0: {  	_ =	shalt  }

// kernel: gather_offload_async_start.3
scs
__scs_entry_jumppad:
0x0: {  	(pc) =	sbr.rel $0x88, $3  }
0x1: {  	(tag) =	ssettag $0x0;
	lr =	simm.s32 $0x1  }
0x2: {  	[smem:$0x3F9B] =	sst lr;
	_ =	strace $0xD0000000  }
0x3: {  	_ = 	snop  }
0x4: {  	_ = 	snop  }
0x5: {  	_ = 	snop  }
0x6: {  	_ = 	snop  }
0x7: {  	_ = 	snop  }
__scs_overlays_trampoline_lowered:
0x8: {  	[smem:$0x3FAA] =	sst s0  }
0x9: {  	[smem:$0x3FAB] =	sst s1  }
0xa: {  	[smem:$0x3FAC] =	sst s2  }
0xb: {  	[smem:$0x3FAD] =	sst s3  }
0xc: {  	[smem:$0x3FAE] =	sst s4  }
0xd: {  	[smem:$0x3FAF] =	sst s5  }
0xe: {  	[smem:$0x3FB0] =	sst s6  }
0xf: {  	[smem:$0x3FB1] =	sst s7  }
0x10: {  	[smem:$0x3FB2] =	sst s8  }
0x11: {  	[smem:$0x3FB3] =	sst s9;
	s0 =	simm.s32 @!p0 $0x0  }
0x12: {  	s1 =	sld [smem:$0x3F99];
	s0 =	simm.s32 @p0 $0x1  }
0x13: {  	[smem:$0x3FB4] =	sst s0;
	s0 =	simm.s32 @!p1 $0x0  }
0x14: {  	s2 =	sld [smem:$0x3F98];
	s0 =	simm.s32 @p1 $0x1  }
0x15: {  	[smem:$0x3FB5] =	sst s0;
	s0 =	simm.s32 @!p2 $0x0  }
0x16: {  	s3 =	sld [smem:$0x3FDB];
	s0 =	simm.s32 @p2 $0x1  }
0x17: {  	s4 =	simm.s32 $0x1BF5;
	[smem:$0x3FB7] =	sst s0  }
0x18: {  	s0 =	sld [smem:$0x3F9A];
	_ =	swait.ge [sflag:s4], $0x0  }
0x19: {  	s7 =	sld [smem:$0x3F9B]  }
0x1a: {  	s8 =	sadd.s32 $0xFFFFE003, lr  }
0x1b: {  	s9 =	sadd.s32 $0xFFFFFEF7, lr;
	s5 =	simm.s32 $0xFFFFFFFF;
	p2 =	slt.u32 s8, $0xFFFFF086  }
0x1c: {  	p1 =	slt.u32 s9, $0xF7A;
	s5 =	simm.s32 @!p2 $0x0  }
0x1d: {  	s5 =	simm.s32 @p1 $0x1;
	p0 =	seq.s32 s7, s2  }
0x1e: {  	s7 =	smul.u32 @!p0 $0xF7A, s2;
	p2 =	seq.s32 @!p0 s5, $0x0  }
0x1f: {  	s9 =	smul.u32 $0xF7A, s1;
	s8 =	simm.s32 @!p0 $0x1BF5;
	p2 =	por !p2, p0  }
0x20: {  	[sflag:s8] =	ssyncset.s32 @!p0 $0xFFFFF086;
	s6 =	sadd.s32 @!p0 s3, s7;
	s7 =	simm.s32 @!p0 $0x108  }
0x21: {  	s3 =	sadd.s32 s3, s9;
	s6 =	sadd.s32 @!p0 $0x88, s6;
	s7 =	simm.s32 @p2 $0x1082  }
0x22: {  	[simem:s7], [sflag:s8] =	dma.local @!p0 [hbm:s6], $0xF7A  }
0x23: {  	s9 =	sor.u32 $0xD0000000, s2;
	s6 =	simm.s32 $0x108;
	_ =	swait.ge @!p0 [sflag:s8], $0x0  }
0x24: {  	s3 =	sadd.s32 $0x88, s3;
	s6 =	simm.s32 @!p1 $0x1082;
	[sflag:s4] =	ssyncset.s32 $0xFFFFF086  }
0x25: {  	[simem:s6], [sflag:s4] =	dma.local [hbm:s3], $0xF7A  }
0x26: {  	[smem:$0x3F9B] =	sst s1;
	(tag) =	ssettag s2;
	_ =	strace s9  }
0x27: {  	s1 =	sld [smem:$0x3FAB]  }
0x28: {  	s2 =	sld [smem:$0x3FAC]  }
0x29: {  	s4 =	sld [smem:$0x3FAE]  }
0x2a: {  	p0 =	seq.s32 s5, $0x0;
	s5 =	sld [smem:$0x3FAF]  }
0x2b: {  	s6 =	sld [smem:$0x3FB0]  }
0x2c: {  	s7 =	sld [smem:$0x3FB1]  }
0x2d: {  	s3 =	simm.s32 $0x108;
	s8 =	sld [smem:$0x3FB2]  }
0x2e: {  	s3 =	simm.s32 @!p0 $0x1082;
	s9 =	sld [smem:$0x3FB3]  }
0x2f: {  	lr =	sadd.s32 s0, s3;
	s0 =	sld [smem:$0x3FAA]  }
0x30: {  	s3 =	sld [smem:$0x3FAD]  }
0x31: {  	[smem:$0x3FB6] =	sst s10  }
0x32: {  	s10 =	sld [smem:$0x3FB4];
	_ =	sdelay $0x3  }
0x33: {  	p0 =	seq.s32 s10, $0x1;
	s10 =	sld [smem:$0x3FB6];
	_ =	sdelay $0x3  }
0x34: {  	[smem:$0x3FB6] =	sst s10  }
0x35: {  	s10 =	sld [smem:$0x3FB5];
	_ =	sdelay $0x3  }
0x36: {  	p1 =	seq.s32 s10, $0x1;
	s10 =	sld [smem:$0x3FB6];
	_ =	sdelay $0x3  }
0x37: {  	[smem:$0x3FB6] =	sst s10  }
0x38: {  	s10 =	sld [smem:$0x3FB7]  }
0x39: {  	_ = 	snop;
	(pc) =	sbr.ind lr, $3  }
0x3a: {  	_ = 	snop  }
0x3b: {  	_ = 	snop  }
0x3c: {  	p2 =	seq.s32 s10, $0x1;
	s10 =	sld [smem:$0x3FB6]  }
0x3d: {  	_ =	shalt  }
0x3e: {  	_ =	shalt  }
0x3f: {  	_ =	shalt  }
0x40: {  	_ =	shalt  }
0x41: {  	_ =	shalt  }
0x42: {  	_ =	shalt  }
0x43: {  	_ =	shalt  }
0x44: {  	_ =	shalt  }
0x45: {  	_ =	shalt  }
0x46: {  	_ =	shalt  }
0x47: {  	_ =	shalt  }
0x48: {  	_ =	shalt  }
0x49: {  	_ =	shalt  }
0x4a: {  	_ =	shalt  }
0x4b: {  	_ =	shalt  }
0x4c: {  	_ =	shalt  }
0x4d: {  	_ =	shalt  }
0x4e: {  	_ =	shalt  }
0x4f: {  	_ =	shalt  }
0x50: {  	_ =	shalt  }
0x51: {  	_ =	shalt  }
0x52: {  	_ =	shalt  }
0x53: {  	_ =	shalt  }
0x54: {  	_ =	shalt  }
0x55: {  	_ =	shalt  }
0x56: {  	_ =	shalt  }
0x57: {  	_ =	shalt  }
0x58: {  	_ =	shalt  }
0x59: {  	_ =	shalt  }
0x5a: {  	_ =	shalt  }
0x5b: {  	_ =	shalt  }
0x5c: {  	_ =	shalt  }
0x5d: {  	_ =	shalt  }
0x5e: {  	_ =	shalt  }
0x5f: {  	_ =	shalt  }
0x60: {  	_ =	shalt  }
0x61: {  	_ =	shalt  }
0x62: {  	_ =	shalt  }
0x63: {  	_ =	shalt  }
0x64: {  	_ =	shalt  }
0x65: {  	_ =	shalt  }
0x66: {  	_ =	shalt  }
0x67: {  	_ =	shalt  }
0x68: {  	_ =	shalt  }
0x69: {  	_ =	shalt  }
0x6a: {  	_ =	shalt  }
0x6b: {  	_ =	shalt  }
0x6c: {  	_ =	shalt  }
0x6d: {  	_ =	shalt  }
0x6e: {  	_ =	shalt  }
0x6f: {  	_ =	shalt  }
0x70: {  	_ =	shalt  }
0x71: {  	_ =	shalt  }
0x72: {  	_ =	shalt  }
0x73: {  	_ =	shalt  }
0x74: {  	_ =	shalt  }
0x75: {  	_ =	shalt  }
0x76: {  	_ =	shalt  }
0x77: {  	_ =	shalt  }
0x78: {  	_ =	shalt  }
0x79: {  	_ =	shalt  }
0x7a: {  	_ =	shalt  }
0x7b: {  	_ =	shalt  }
0x7c: {  	_ =	shalt  }
0x7d: {  	_ =	shalt  }
0x7e: {  	_ =	shalt  }
0x7f: {  	_ =	shalt  }
0x80: {  	_ =	shalt  }
0x81: {  	_ =	shalt  }
0x82: {  	_ =	shalt  }
0x83: {  	_ =	shalt  }
0x84: {  	_ =	shalt  }
0x85: {  	_ =	shalt  }
0x86: {  	_ =	shalt  }
0x87: {  	_ =	shalt  }
.Lfunc_end0:
.L_simem_size_0:
called_computation.3_lowered:
.L_overlay_start_0:
0x88: {  	s0 =	sld [smem:$0x3FD9]  }
0x89: {  	s1 =	sld [smem:$0x3FFE];
	_ =	sdelay $0x3  }
0x8a: {  	s0 =	sadd.s32 s1, s0  }
0x8b: {  	[smem:$0x3FC2] =	sst s0  }
0x8c: {  	_ = 	snop  }
0x8d: {  	(tm) =	ssettm $0x1  }
0x8e: {  	s15 =	sld [smem:$0x3FFB];
	_ =	sdelay $0x3  }
0x8f: {  	_ =	strace s15  }
0x90: {  	s0 =	sld [smem:$0x3FFC];
	_ =	sdelay $0x3  }
0x91: {  	_ =	strace s0  }
0x92: {  	s0 =	sld [smem:$0x3FFD];
	_ =	sdelay $0x3  }
0x93: {  	_ =	strace s0  }
0x94: {  	_ =	strace $0x8FFFFFFF  }
0x95: {  	s16 =	sld [smem:$0x3FDB];
	_ =	sdelay $0x1  }
0x96: {  	s17 =	simm.s32 $_scs_section_size  }
0x97: {  	s2 =	simm.s32 $_size__tile_overlayer_lowered;
	s3 =	simm.s32 $_tile_overlayer_lowered  }
0x98: {  	s20 =	simm.s32 $0x1BFF;
	s19 =	sshll.u32 s3, $0x1;
	s0 =	sadd.s32 s17, s16  }
0x99: {  	s4 =	simm.s32 $0x0;
	s18 =	sshll.u32 s2, $0x1;
	s2 =	sadd.s32 s19, s0  }
0x9a: {  	[timem:s4], [sflag:s20] =	dma.local [hbm:s2], s18  }
0x9b: {  	_ =	swait.ge [sflag:s20], s18  }
0x9c: {  	s1 =	ssub.s32 $0x0, s18;
	[sflag:s20] =	ssyncset.done $0x0  }
0x9d: {  	[sflag:s20] =	ssyncadd.s32 s1;
	_ =	sdelay $0x1  }
0x9e: {  	s21 =	simm.s32 $0x1B8B  }
0x9f: {  	_ =	swait.ge [sflag:s21], $0x1  }
0xa0: {  	[sflag:s21] =	ssyncset.done $0x0  }
0xa1: {  	s23 =	simm.s32 $0x1B8E;
	s22 =	sld [smem:$0x3FFE];
	[sflag:s21] =	ssyncadd.s32 $0xFFFFFFFF  }
0xa2: {  	s24 =	simm.s32 $execute0_lowered;
	[smem:$0x3FD2] =	sst s23  }
0xa3: {  	s2 =	sshll.u32 s24, $0x1;
	_ =	strace $0x8000004F;
	[dreg:$0x1] =	wrdreg $0xFFFFFFFF  }
0xa4: {  	s25 =	simm.s32 $_size_execute0_lowered;
	s0 =	sadd.s32 s0, s2;
	[dreg:$0x0] =	wrdreg $0x0  }
0xa5: {  	s2 =	sshll.u32 s25, $0x1;
	[dreg:$0x2] =	wrdreg s0  }
0xa6: {  	[dreg:$0x3] =	wrdreg s2  }
0xa7: {  	[dreg:$0x4] =	wrdreg $0xC0  }
0xa8: {  	_ =	task [dreg:s4], $0x5FFFF  }
0xa9: {  	[dreg:$0x1] =	wrdreg $0xFFFFFFFF  }
0xaa: {  	[dreg:$0x0] =	wrdreg $0x60  }
0xab: {  	[dreg:$0x2] =	wrdreg s22  }
0xac: {  	[dreg:$0x3] =	wrdreg $0x9  }
0xad: {  	_ =	task.clear_ibuf [dreg:s4], $0x4FFFF;
	_ =	strace $0x9000004F  }
0xae: {  	s26 =	simm.s32 $0x9;
	_ =	strace $0x80000051  }
0xaf: {  	_ =	swait.ge [sflag:s26], $0x1  }
0xb0: {  	[sflag:s26] =	ssyncadd.s32 $0xFFFFFFFF  }
0xb1: {  	_ =	strace $0x90000051  }
0xb2: {  	_ =	sfence  }
0xb3: {  	s28 =	sld [smem:$0x0];
	_ =	sdelay $0x1  }
0xb4: {  	s29 =	srdreg.scid  }
0xb5: {  	s30 =	sshll.u32 s29, $0xD;
	s31 =	sshrl.u32 s29, $0x2  }
0xb6: {  	s1 =	sand.u32 $0x1, s29;
	s2 =	sand.u32 $0x4000, s30;
	s0 =	sadd.s32 s31, s28  }
0xb7: {  	s1 =	sor.u32 s2, s1;
	s0 =	sshll.u32 s0, $0x11  }
0xb8: {  	s0 =	sor.u32 s0, s1  }
0xb9: {  	s0 =	sadd.s32 $0x8F2B, s0  }
0xba: {  	[sflag:s0] =	ssyncadd.remote.s32 $0x1  }
0xbb: {  	_ =	sfence.sel $0xFFFF  }
0xbc: {  	[dreg:$0x0] =	wrdreg $0xFFFFFFFF;
	(pc) =	sbr.abs _section_cstart, $3  }
0xbd: {  	[dreg:$0x1] =	wrdreg $0xFFFFFFFF  }
0xbe: {  	_ =	task.clear_ibuf [dreg:s4], $0x2FFFF;
	_ =	strace $0x9FFFFFFF  }
0xbf: {  	(tm) =	ssettm $0x7FFFFFFF  }
tec
execute0_lowered:
.L_overlay_start_1:
0x0: {  	(tag) =	ssettag $0x1  }
0x1: {  	s0 =	stileid.u32  }
0x2: {  	s1 =	smul.u32 $0xDA, s0  }
0x3: {  	s2 =	smin.u32 s0, $0x3  }
0x4: {  	s1 =	sadd.s32 s2, s1  }
0x5: {  	p0 =	slt.u32 s0, $0x3;
	s2 =	smul.u32 $0x18, s1;
	s1 =	simm.s32 $0x1488  }
0x6: {  	s1 =	simm.s32 @!p0 $0x1470  }
0x7: {  	s1 =	sadd.s32 s1, s2  }
0x8: {  	s3 =	smin.u32 s1, $0x14748  }
0x9: {  	s7 =	ssub.s32 s3, s2  }
0xa: {  	p0 =	sgt.s32 s7, $0x0  }
0xb: {  	s7 =	simm.s32 @!p0 $0x0  }
0xc: {  	s4 =	smulhi.u32 $0x2AAAAAAB, s7  }
0xd: {  	s9 =	rddreg [dreg:$0x0];
	s6 =	simm.s32 $0x1;
	s11 =	simm.s32 $0x3  }
0xe: {  	s13 =	simm.s32 $0x0;
	s12 =	simm.s32 $0x0;
	s8 =	sshrl.u32 s4, $0x2  }
0xf: {  	s1 =	rddreg [dreg:$0x1];
	_ =	strace $0x80000050;
	s10 =	smul.u32 $0x18, s8  }
.Ltmp0:
0x10: {  	s5 =	sadd.s32 $0x14C400, s9;
	[sflag:s6] =	ssyncpa.u1 $0x0;
	(pc) =	sbr.rel .LBB2_1-.Ltmp0, $4  }
0x11: {  	s4 =	sadd.s32 $0x2400, s9;
	p0 =	sne.s32 s7, s10;
	s10 =	simm.s32 $0x1  }
0x12: {  	s9 =	sadd.s32 $0x14EE00, s9;
	s7 =	simm.s32 $0x2;
	s10 =	simm.s32 @!p0 $0x0  }
0x13: {  	[sflag:s7] =	ssyncpa.u1 $0x0;
	p0 =	por $0x0, $0x0;
	s8 =	sadd.s32 s10, s8  }
0x14: {  	vm0 =	vmmov $0xff;
	vm1 =	vcmask $0x3F20;
	[sflag:s11] =	ssyncpa.u1 $0x0;
	s11 =	smov.u32 s2;
	s10 =	sadd.s32 $0x1, s8  }
.LBB2_4:
0x15: {  	[hbm:s17] =	stream.linear.scatter [tilespmem:s13], [sflag:$0x3], $0x400, $0x38;
	[tilespmem:$0x1830] =	vst v63  }
.LBB2_5:
0x16: {  	s13 =	sadd.s32 $0x18, s11  }
0x17: {  	s15 =	smov.u32 s2;
	p2 =	slt.s32 s13, s3  }
0x18: {  	s15 =	smov.u32 @p2 s13;
	p2 =	sne.s32 s12, s10  }
.Ltmp1:
0x19: {  	p1 =	slt.u32 s12, $0x2;
	(pc) =	sbr.rel @!p2 .LBB2_6-.Ltmp1, $4  }
0x1a: {  	s14 =	simm.s32 @!p1 $0x3  }
0x1b: {  	s16 =	sadd.s32 $0x1, s12;
	_ =	swait.ge @!p1 [sflag:s14], $0xC00  }
0x1c: {  	p0 =	por !p0, !p0;
	s13 =	smov.u32 s11;
	[sflag:s14] =	ssyncset.done @!p1 $0x0  }
0x1d: {  	s12 =	smov.u32 s16;
	s11 =	smov.u32 s15;
	[sflag:s14] =	ssyncadd.s32 @!p1 $0xFFFFF400  }
.LBB2_1:
0x1e: {  	p1 =	sge.u32 s12, s8  }
0x1f: {  	s14 =	sxor.u32 @!p1 $0xFFFFFFFF, s12  }
0x20: {  	s14 =	sand.u32 @!p1 $0x1, s14  }
0x21: {  	s14 =	smul.u32 @!p1 $0x60, s14  }
0x22: {  	s31 =	sadd.s32 $0xFFFFFFFF, s12;
	s15 =	sshrl.u32 @!p1 s11, $0x3  }
0x23: {  	s16 =	sand.u32 @!p1 $0x7, s11;
	s15 =	sadd.s32 @!p1 s5, s15;
	s14 =	sshrl.u32 @!p1 s14, $0x2  }
0x24: {  	[tilespmem:s14], [sflag:$0x2] =	stream.linear.gather @!p1 [hbm4b:s15+s16], $0x18, $0x38;
	[tilespmem:$0x1830] =	vst v63  }
0x25: {  	p1 =	sge.u32 s31, s8  }
.Ltmp2:
0x26: {  	_ = 	snop;
	(pc) =	sbr.rel @p1 .LBB2_5-.Ltmp2, $1  }
0x27: {  	_ =	sdelay $0x3  }
0x28: {  	s14 =	sand.u32 $0x1, s12  }
0x29: {  	_ =	swait.ge [sflag:s7], $0x18;
	s15 =	smul.u32 $0x60, s14  }
0x2a: {  	[sflag:s7] =	ssyncset.done $0x0  }
0x2b: {  	[sflag:s7] =	ssyncadd.s32 $0xFFFFFFE8;
	s15 =	sshrl.u32 s15, $0x2  }
0x2c: {  	v0 =	vld.msk [tilespmem:s15+$0x0 ss:$0x1], $0xffff;
	_ =	sdelay $0x4  }
0x2d: {  	v1 =	vand.u32 $0xFFF, v0;
	v2 =	vshrl.u32 v0, $0x5  }
0x2e: {  	vm2 =	veq.s32 v0, $0x80000000;
	v56 =	vmul.u32 $0xC00, v1;
	v57 =	vand.u32 $0xF80, v2  }
0x2f: {  	v1 =	vsel vm2, $0xFFFFFF80, v57  }
0x30: {  	v0 =	vsel vm2, $0xFFFFF400, v56;
	v58 =	vand.u32 $0xFFFFFC00, v1  }
0x31: {  	v1 =	vand.u32 $0x380, v1;
	v0 =	vadd.s32 v0, v58  }
0x32: {  	v0 =	vor.u32 v1, v0  }
0x33: {  	v0 =	vshrl.u32 v0, $0x3  }
0x34: {  	s14 =	smul.u32 $0x3000, s14;
	_ =	sdelay $0x1  }
0x35: {  	s14 =	sshrl.u32 s14, $0x2  }
0x36: {  	s16 =	sor.u32 $0x30, s14  }
0x37: {  	[tilespmem:s16], [sflag:$0x1] =	stream.indirect_vreg.gather [hbm:s4], $0x80, v0, vm0, $0x38;
	[tilespmem:$0x1830] =	vst v63  }
0x38: {  	s29 =	sadd.s32 $0x430, s14  }
0x39: {  	[tilespmem:s29], [sflag:$0x1] =	stream.indirect_vreg.gather [hbm:s4], $0x80, v0, vm1, $0x38;
	[tilespmem:$0x1830] =	vst v63  }
0x3a: {  	v0 =	vld.msk [tilespmem:s15+$0x10 ss:$0x1], $0xff;
	_ =	sdelay $0x4  }
0x3b: {  	v59 =	vand.u32 $0xFFF, v0;
	v60 =	vshrl.u32 v0, $0x5  }
0x3c: {  	vm2 =	veq.s32 v0, $0x80000000;
	v61 =	vmul.u32 $0xC00, v59;
	v62 =	vand.u32 $0xF80, v60  }
0x3d: {  	v1 =	vsel vm2, $0xFFFFFF80, v62  }
0x3e: {  	v0 =	vsel vm2, $0xFFFFF400, v61;
	v63 =	vand.u32 $0xFFFFFC00, v1  }
0x3f: {  	v1 =	vand.u32 $0x380, v1;
	v0 =	vadd.s32 v0, v63  }
0x40: {  	v0 =	vor.u32 v1, v0  }
0x41: {  	v0 =	vshrl.u32 v0, $0x3;
	_ =	sdelay $0x1  }
0x42: {  	s15 =	simm.s32 $0x1  }
0x43: {  	s15 =	simm.s32 @!p0 $0x0  }
0x44: {  	s31 =	sshll.u32 s13, $0x4;
	s14 =	sadd.s32 $0x830, s14;
	s15 =	smul.u32 $0x3000, s15  }
0x45: {  	[tilespmem:s14], [sflag:$0x1] =	stream.indirect_vreg.gather [hbm:s4], $0x80, v0, vm0, $0x38;
	[tilespmem:$0x1830] =	vst v63  }
0x46: {  	s30 =	sshrl.u32 s15, $0x2;
	s15 =	simm.s32 $0x80;
	_ =	swait.ge [sflag:s6], $0xC00  }
0x47: {  	s13 =	sor.u32 $0x30, s30;
	s14 =	sadd.s32 s31, s9;
	[sflag:s6] =	ssyncset.done $0x0  }
0x48: {  	s16 =	sadd.s32 $0x400, s13;
	s17 =	sadd.s32 $0x0, s14;
	[sflag:s6] =	ssyncadd.s32 $0xFFFFF400  }
.LBB2_3:
0x49: {  	[hbm:s17] =	stream.linear.scatter [tilespmem:s13], [sflag:$0x3], $0x400, $0x38;
	[tilespmem:$0x1830] =	vst v63  }
0x4a: {  	s17 =	smov.u32 s15;
	s13 =	smov.u32 s16;
	p1 =	sne.s32 s15, $0x100  }
.Ltmp3:
0x4b: {  	s15 =	sadd.s32 $0x80, s15;
	(pc) =	sbr.rel @p1 .LBB2_3-.Ltmp3, $2  }
0x4c: {  	_ =	sdelay $0x2  }
0x4d: {  	s16 =	sadd.s32 $0x400, s16;
	s17 =	sadd.s32 s17, s14  }
.Ltmp4:
0x4e: {  	_ = 	snop;
	(pc) =	sbr.rel .LBB2_4-.Ltmp4, $1  }
0x4f: {  	_ =	sdelay $0x3  }
.LBB2_6:
0x50: {  	_ =	sfence.sel $0x180000  }
0x51: {  	s2 =	simm.s32 $0x2;
	[bflag:$0x0] =	sbarrier.arrive $0xFFFF  }
0x52: {  	s30 =	simm.s32 $0x3;
	[sflag:s2] =	ssyncpa.u1 $0x1  }
0x53: {  	s31 =	simm.s32 $0x1;
	[sflag:s30] =	ssyncpa.u1 $0x1  }
0x54: {  	[sflag:s31] =	ssyncpa.u1 $0x1  }
0x55: {  	p0 =	sne.s32 s0, $0x0;
	_ =	strace $0x90000050  }
0x56: {  	s0 =	sadd.s32 @!p0 $0x100000, s1;
	[bflag:$0x2] =	sbarrier.arrive $0xFFFF  }
0x57: {  	[sflag:s0] =	ssyncadd.tile.s32 @!p0 $0x1;
	_ =	shalt  }
.Lfunc_end2:
_tile_overlayer_lowered:
.L_overlay_start_2:
0x58: {  	(tag) =	ssettag $0x2  }
0x59: {  	s0 =	rddreg [dreg:$0x0];
	s2 =	stileid.u32  }
0x5a: {  	s1 =	rddreg [dreg:$0x1];
	p0 =	sne.s32 s2, $0x0  }
0x5b: {  	s3 =	rddreg [dreg:$0x2];
	[bflag:$0x3] =	sbarrier.arrive $0xFFFF;
	s2 =	simm.s32 @!p0 $0x1C01  }
0x5c: {  	[timem:s3], [sflag:s2] =	dma.local @!p0 [hbm:s0], s1  }
0x5d: {  	s0 =	simm.s32 @!p0 $0x1  }
0x5e: {  	_ =	swait.ge @!p0 [sflag:s0], s1  }
0x5f: {  	s1 =	ssub.s32 @!p0 $0x0, s1;
	[sflag:s0] =	ssyncset.done @!p0 $0x0  }
0x60: {  	[sflag:s0] =	ssyncadd.s32 @!p0 s1  }
0x61: {  	[bflag:$0x3] =	sbarrier.arrive $0xFFFF  }
0x62: {  	_ =	shalt  }

// kernel: gather_offload_async_start
scs
__scs_entry_jumppad:
0x0: {  	(pc) =	sbr.rel $0x88, $3  }
0x1: {  	(tag) =	ssettag $0x0;
	lr =	simm.s32 $0x1  }
0x2: {  	[smem:$0x3F9B] =	sst lr;
	_ =	strace $0xD0000000  }
0x3: {  	_ = 	snop  }
0x4: {  	_ = 	snop  }
0x5: {  	_ = 	snop  }
0x6: {  	_ = 	snop  }
0x7: {  	_ = 	snop  }
__scs_overlays_trampoline_lowered:
0x8: {  	[smem:$0x3FAA] =	sst s0  }
0x9: {  	[smem:$0x3FAB] =	sst s1  }
0xa: {  	[smem:$0x3FAC] =	sst s2  }
0xb: {  	[smem:$0x3FAD] =	sst s3  }
0xc: {  	[smem:$0x3FAE] =	sst s4  }
0xd: {  	[smem:$0x3FAF] =	sst s5  }
0xe: {  	[smem:$0x3FB0] =	sst s6  }
0xf: {  	[smem:$0x3FB1] =	sst s7  }
0x10: {  	[smem:$0x3FB2] =	sst s8  }
0x11: {  	[smem:$0x3FB3] =	sst s9;
	s0 =	simm.s32 @!p0 $0x0  }
0x12: {  	s1 =	sld [smem:$0x3F99];
	s0 =	simm.s32 @p0 $0x1  }
0x13: {  	[smem:$0x3FB4] =	sst s0;
	s0 =	simm.s32 @!p1 $0x0  }
0x14: {  	s2 =	sld [smem:$0x3F98];
	s0 =	simm.s32 @p1 $0x1  }
0x15: {  	[smem:$0x3FB5] =	sst s0;
	s0 =	simm.s32 @!p2 $0x0  }
0x16: {  	s3 =	sld [smem:$0x3FDB];
	s0 =	simm.s32 @p2 $0x1  }
0x17: {  	s4 =	simm.s32 $0x1BF5;
	[smem:$0x3FB7] =	sst s0  }
0x18: {  	s0 =	sld [smem:$0x3F9A];
	_ =	swait.ge [sflag:s4], $0x0  }
0x19: {  	s7 =	sld [smem:$0x3F9B]  }
0x1a: {  	s8 =	sadd.s32 $0xFFFFE003, lr  }
0x1b: {  	s9 =	sadd.s32 $0xFFFFFEF7, lr;
	s5 =	simm.s32 $0xFFFFFFFF;
	p2 =	slt.u32 s8, $0xFFFFF086  }
0x1c: {  	p1 =	slt.u32 s9, $0xF7A;
	s5 =	simm.s32 @!p2 $0x0  }
0x1d: {  	s5 =	simm.s32 @p1 $0x1;
	p0 =	seq.s32 s7, s2  }
0x1e: {  	s7 =	smul.u32 @!p0 $0xF7A, s2;
	p2 =	seq.s32 @!p0 s5, $0x0  }
0x1f: {  	s9 =	smul.u32 $0xF7A, s1;
	s8 =	simm.s32 @!p0 $0x1BF5;
	p2 =	por !p2, p0  }
0x20: {  	[sflag:s8] =	ssyncset.s32 @!p0 $0xFFFFF086;
	s6 =	sadd.s32 @!p0 s3, s7;
	s7 =	simm.s32 @!p0 $0x108  }
0x21: {  	s3 =	sadd.s32 s3, s9;
	s6 =	sadd.s32 @!p0 $0x88, s6;
	s7 =	simm.s32 @p2 $0x1082  }
0x22: {  	[simem:s7], [sflag:s8] =	dma.local @!p0 [hbm:s6], $0xF7A  }
0x23: {  	s9 =	sor.u32 $0xD0000000, s2;
	s6 =	simm.s32 $0x108;
	_ =	swait.ge @!p0 [sflag:s8], $0x0  }
0x24: {  	s3 =	sadd.s32 $0x88, s3;
	s6 =	simm.s32 @!p1 $0x1082;
	[sflag:s4] =	ssyncset.s32 $0xFFFFF086  }
0x25: {  	[simem:s6], [sflag:s4] =	dma.local [hbm:s3], $0xF7A  }
0x26: {  	[smem:$0x3F9B] =	sst s1;
	(tag) =	ssettag s2;
	_ =	strace s9  }
0x27: {  	s1 =	sld [smem:$0x3FAB]  }
0x28: {  	s2 =	sld [smem:$0x3FAC]  }
0x29: {  	s4 =	sld [smem:$0x3FAE]  }
0x2a: {  	p0 =	seq.s32 s5, $0x0;
	s5 =	sld [smem:$0x3FAF]  }
0x2b: {  	s6 =	sld [smem:$0x3FB0]  }
0x2c: {  	s7 =	sld [smem:$0x3FB1]  }
0x2d: {  	s3 =	simm.s32 $0x108;
	s8 =	sld [smem:$0x3FB2]  }
0x2e: {  	s3 =	simm.s32 @!p0 $0x1082;
	s9 =	sld [smem:$0x3FB3]  }
0x2f: {  	lr =	sadd.s32 s0, s3;
	s0 =	sld [smem:$0x3FAA]  }
0x30: {  	s3 =	sld [smem:$0x3FAD]  }
0x31: {  	[smem:$0x3FB6] =	sst s10  }
0x32: {  	s10 =	sld [smem:$0x3FB4];
	_ =	sdelay $0x3  }
0x33: {  	p0 =	seq.s32 s10, $0x1;
	s10 =	sld [smem:$0x3FB6];
	_ =	sdelay $0x3  }
0x34: {  	[smem:$0x3FB6] =	sst s10  }
0x35: {  	s10 =	sld [smem:$0x3FB5];
	_ =	sdelay $0x3  }
0x36: {  	p1 =	seq.s32 s10, $0x1;
	s10 =	sld [smem:$0x3FB6];
	_ =	sdelay $0x3  }
0x37: {  	[smem:$0x3FB6] =	sst s10  }
0x38: {  	s10 =	sld [smem:$0x3FB7]  }
0x39: {  	_ = 	snop;
	(pc) =	sbr.ind lr, $3  }
0x3a: {  	_ = 	snop  }
0x3b: {  	_ = 	snop  }
0x3c: {  	p2 =	seq.s32 s10, $0x1;
	s10 =	sld [smem:$0x3FB6]  }
0x3d: {  	_ =	shalt  }
0x3e: {  	_ =	shalt  }
0x3f: {  	_ =	shalt  }
0x40: {  	_ =	shalt  }
0x41: {  	_ =	shalt  }
0x42: {  	_ =	shalt  }
0x43: {  	_ =	shalt  }
0x44: {  	_ =	shalt  }
0x45: {  	_ =	shalt  }
0x46: {  	_ =	shalt  }
0x47: {  	_ =	shalt  }
0x48: {  	_ =	shalt  }
0x49: {  	_ =	shalt  }
0x4a: {  	_ =	shalt  }
0x4b: {  	_ =	shalt  }
0x4c: {  	_ =	shalt  }
0x4d: {  	_ =	shalt  }
0x4e: {  	_ =	shalt  }
0x4f: {  	_ =	shalt  }
0x50: {  	_ =	shalt  }
0x51: {  	_ =	shalt  }
0x52: {  	_ =	shalt  }
0x53: {  	_ =	shalt  }
0x54: {  	_ =	shalt  }
0x55: {  	_ =	shalt  }
0x56: {  	_ =	shalt  }
0x57: {  	_ =	shalt  }
0x58: {  	_ =	shalt  }
0x59: {  	_ =	shalt  }
0x5a: {  	_ =	shalt  }
0x5b: {  	_ =	shalt  }
0x5c: {  	_ =	shalt  }
0x5d: {  	_ =	shalt  }
0x5e: {  	_ =	shalt  }
0x5f: {  	_ =	shalt  }
0x60: {  	_ =	shalt  }
0x61: {  	_ =	shalt  }
0x62: {  	_ =	shalt  }
0x63: {  	_ =	shalt  }
0x64: {  	_ =	shalt  }
0x65: {  	_ =	shalt  }
0x66: {  	_ =	shalt  }
0x67: {  	_ =	shalt  }
0x68: {  	_ =	shalt  }
0x69: {  	_ =	shalt  }
0x6a: {  	_ =	shalt  }
0x6b: {  	_ =	shalt  }
0x6c: {  	_ =	shalt  }
0x6d: {  	_ =	shalt  }
0x6e: {  	_ =	shalt  }
0x6f: {  	_ =	shalt  }
0x70: {  	_ =	shalt  }
0x71: {  	_ =	shalt  }
0x72: {  	_ =	shalt  }
0x73: {  	_ =	shalt  }
0x74: {  	_ =	shalt  }
0x75: {  	_ =	shalt  }
0x76: {  	_ =	shalt  }
0x77: {  	_ =	shalt  }
0x78: {  	_ =	shalt  }
0x79: {  	_ =	shalt  }
0x7a: {  	_ =	shalt  }
0x7b: {  	_ =	shalt  }
0x7c: {  	_ =	shalt  }
0x7d: {  	_ =	shalt  }
0x7e: {  	_ =	shalt  }
0x7f: {  	_ =	shalt  }
0x80: {  	_ =	shalt  }
0x81: {  	_ =	shalt  }
0x82: {  	_ =	shalt  }
0x83: {  	_ =	shalt  }
0x84: {  	_ =	shalt  }
0x85: {  	_ =	shalt  }
0x86: {  	_ =	shalt  }
0x87: {  	_ =	shalt  }
.Lfunc_end0:
.L_simem_size_0:
called_computation_lowered:
.L_overlay_start_0:
0x88: {  	s2 =	sld [smem:$0x3FD9]  }
0x89: {  	s3 =	sld [smem:$0x3FFE];
	_ =	sdelay $0x1  }
0x8a: {  	s1 =	srdreg.scid  }
0x8b: {  	s0 =	sand.u32 $0x1, s1  }
0x8c: {  	s17 =	sshll.u32 s0, $0xA;
	s2 =	sadd.s32 s3, s2  }
0x8d: {  	s2 =	sadd.s32 s2, s17  }
0x8e: {  	[smem:$0x3FC2] =	sst s2  }
0x8f: {  	_ = 	snop  }
0x90: {  	s2 =	sld [smem:$0x3FC5];
	(tm) =	ssettm $0x1  }
0x91: {  	s18 =	sld [smem:$0x3FFB];
	_ =	sdelay $0x3  }
0x92: {  	_ =	strace s18  }
0x93: {  	s3 =	sld [smem:$0x3FFC];
	_ =	sdelay $0x3  }
0x94: {  	_ =	strace s3  }
0x95: {  	s3 =	sld [smem:$0x3FFD];
	_ =	sdelay $0x3  }
0x96: {  	_ =	strace s3  }
0x97: {  	_ =	strace $0x8FFFFFFF  }
0x98: {  	s19 =	sld [smem:$0x3FDB];
	_ =	sdelay $0x1  }
0x99: {  	s4 =	simm.s32 $_scs_section_size  }
0x9a: {  	s5 =	simm.s32 $_size__tile_overlayer_lowered;
	s6 =	simm.s32 $_tile_overlayer_lowered  }
0x9b: {  	s22 =	simm.s32 $0x1BFF;
	s21 =	sshll.u32 s6, $0x1;
	s3 =	sadd.s32 s4, s19  }
0x9c: {  	s7 =	simm.s32 $0x0;
	s20 =	sshll.u32 s5, $0x1;
	s5 =	sadd.s32 s21, s3  }
0x9d: {  	[timem:s7], [sflag:s22] =	dma.local [hbm:s5], s20  }
0x9e: {  	_ =	swait.ge [sflag:s22], s20  }
0x9f: {  	s4 =	ssub.s32 $0x0, s20;
	[sflag:s22] =	ssyncset.done $0x0  }
0xa0: {  	[sflag:s22] =	ssyncadd.s32 s4;
	_ =	sdelay $0x1  }
0xa1: {  	s23 =	simm.s32 $0x1B8B  }
0xa2: {  	_ =	swait.ge [sflag:s23], $0x1  }
0xa3: {  	[sflag:s23] =	ssyncset.done $0x0  }
0xa4: {  	s25 =	simm.s32 $0x1B8E;
	s24 =	sld [smem:$0x3FFE];
	[sflag:s23] =	ssyncadd.s32 $0xFFFFFFFF  }
0xa5: {  	s26 =	simm.s32 $execute0_lowered;
	[smem:$0x3FD2] =	sst s25  }
0xa6: {  	s5 =	sshll.u32 s26, $0x1;
	_ =	strace $0x80000046;
	[dreg:$0x1] =	wrdreg $0xFFFFFFFF  }
0xa7: {  	s28 =	simm.s32 $_size_execute0_lowered;
	s3 =	sadd.s32 s3, s5;
	[dreg:$0x0] =	wrdreg $0x0  }
0xa8: {  	s5 =	sshll.u32 s28, $0x1;
	[dreg:$0x2] =	wrdreg s3  }
0xa9: {  	[dreg:$0x3] =	wrdreg s5  }
0xaa: {  	[dreg:$0x4] =	wrdreg $0xC0  }
0xab: {  	_ =	task [dreg:s7], $0x5FFFF  }
0xac: {  	[dreg:$0x1] =	wrdreg $0xFFFFFFFF  }
0xad: {  	[dreg:$0x0] =	wrdreg $0x60  }
0xae: {  	[dreg:$0x2] =	wrdreg s2  }
0xaf: {  	[dreg:$0x3] =	wrdreg s24  }
0xb0: {  	[dreg:$0x4] =	wrdreg $0x9  }
0xb1: {  	_ =	task.clear_ibuf [dreg:s7], $0x5FFFF;
	_ =	strace $0x90000046  }
0xb2: {  	s29 =	simm.s32 $0x9;
	_ =	strace $0x80000048  }
0xb3: {  	_ =	swait.ge [sflag:s29], $0x1  }
0xb4: {  	[sflag:s29] =	ssyncadd.s32 $0xFFFFFFFF  }
0xb5: {  	_ =	strace $0x90000048  }
0xb6: {  	_ =	sfence  }
0xb7: {  	s30 =	sld [smem:$0x0];
	_ =	sdelay $0x2  }
0xb8: {  	s31 =	sshll.u32 s1, $0xD;
	s1 =	sshrl.u32 s1, $0x2  }
0xb9: {  	s3 =	sand.u32 $0x4000, s31;
	s1 =	sadd.s32 s1, s30  }
0xba: {  	s0 =	sor.u32 s3, s0;
	s1 =	sshll.u32 s1, $0x11  }
0xbb: {  	s0 =	sor.u32 s1, s0  }
0xbc: {  	s0 =	sadd.s32 $0x8F2B, s0  }
0xbd: {  	[sflag:s0] =	ssyncadd.remote.s32 $0x1  }
0xbe: {  	_ =	sfence.sel $0xFFFF  }
0xbf: {  	[dreg:$0x0] =	wrdreg $0xFFFFFFFF;
	(pc) =	sbr.abs _section_cstart, $3  }
0xc0: {  	[dreg:$0x1] =	wrdreg $0xFFFFFFFF  }
0xc1: {  	_ =	task.clear_ibuf [dreg:s7], $0x2FFFF;
	_ =	strace $0x9FFFFFFF  }
0xc2: {  	(tm) =	ssettm $0x7FFFFFFF  }
0xc3: {  	_ =	shalt  }
tec
execute0_lowered:
.L_overlay_start_1:
0x0: {  	(tag) =	ssettag $0x1  }
0x1: {  	s1 =	srdreg.scid;
	s2 =	rddreg [dreg:$0x0]  }
0x2: {  	s0 =	stileid.u32;
	s9 =	rddreg [dreg:$0x1];
	s4 =	simm.s32 $0x1  }
0x3: {  	s5 =	simm.s32 $0x2;
	s12 =	simm.s32 $0x0;
	s1 =	sshll.u32 s1, $0x7  }
0x4: {  	s11 =	simm.s32 $0x0;
	s3 =	sshll.u32 s0, $0x8;
	s1 =	sand.u32 $0x80, s1  }
0x5: {  	s3 =	sor.u32 s3, s1;
	s1 =	rddreg [dreg:$0x2];
	_ =	strace $0x80000047  }
0x6: {  	s6 =	sadd.s32 $0x200, s9;
	s7 =	ssub.s32 $0xE00, s3;
	[sflag:s4] =	ssyncpa.u1 $0x0  }
.Ltmp0:
0x7: {  	s10 =	sshrl.u32 s3, $0x3;
	p0 =	sgt.s32 s7, $0x0;
	(pc) =	sbr.rel .LBB2_1-.Ltmp0, $4  }
0x8: {  	[sflag:s5] =	ssyncpa.u1 $0x0;
	s9 =	sadd.s32 s9, s10;
	s7 =	simm.s32 @!p0 $0x0  }
0x9: {  	s10 =	simm.s32 $0x0;
	s8 =	sand.u32 $0xF80, s7;
	s7 =	simm.s32 $0x3  }
0xa: {  	p0 =	sne.s32 s8, $0x0;
	s8 =	simm.s32 $0x1;
	[sflag:s7] =	ssyncpa.u1 $0x0  }
0xb: {  	vm0 =	vmmov $0xffff;
	v0 =	vlaneseq.u32;
	s8 =	simm.s32 @!p0 $0x0;
	s7 =	simm.s32 @!p0 $0x2;
	p0 =	por $0x0, $0x0  }
.LBB2_4:
0xc: {  	_ =	sdelay $0x3  }
0xd: {  	[tilespmem:s20], [sflag:$0x1] =	stream.indirect_vreg.gather [hbm4b:s2+s10], $0x1, v1, vm0, $0x4038;
	[tilespmem:$0x900] =	vst v63  }
0xe: {  	s14 =	sadd.s32 s16, s14  }
0xf: {  	v1 =	vld.msk [tilespmem:s14+$0x0 ss:$0x1], $0xffff;
	_ =	sdelay $0x4  }
0x10: {  	vm1 =	vgt.s32 v1, $0x0  }
0x11: {  	p1 =	sgt.s32 s17, $0x0;
	v1 =	vnsel vm1, $0x0, v1  }
0x12: {  	s17 =	simm.s32 @!p1 $0x0;
	v1 =	vmin.u32 v1, $0x553FF  }
0x13: {  	s22 =	smin.u32 s17, $0x10;
	v2 =	vshll.u32 v1, $0x3  }
0x14: {  	v3 =	vmov s22;
	v1 =	vand.u32 $0x7F, v1;
	v2 =	vand.u32 $0x3FFC00, v2  }
0x15: {  	vm1 =	vgt.u32 v3, v0;
	v1 =	vor.u32 v1, v2  }
0x16: {  	v2 =	vnsel vm1, $0x7FFFFFFF, v1;
	_ =	sdelay $0x1  }
0x17: {  	v3 =	vor.u32 $0x80, v1  }
0x18: {  	(ifvalue) =	ssetifvalue $0x7FFFFFFF;
	v3 =	vnsel vm1, $0x7FFFFFFF, v3  }
0x19: {  	s23 =	sadd.s32 s16, s15;
	(ifvalue) =	ssetifvalue $0x7FFFFFFF  }
0x1a: {  	v4 =	vor.u32 $0x100, v1;
	[tilespmem:s23], [sflag:$0x1] =	stream.indirect_vreg.gather [hbm4b:s2+s10], $0x1, v2, vm0, $0x4038;
	[tilespmem:$0x900] =	vst v63  }
0x1b: {  	(ifvalue) =	ssetifvalue $0x7FFFFFFF;
	v2 =	vnsel vm1, $0x7FFFFFFF, v4  }
0x1c: {  	s15 =	sadd.s32 $0x80, s23;
	(ifvalue) =	ssetifvalue $0x7FFFFFFF  }
0x1d: {  	v60 =	vor.u32 $0x180, v1;
	[tilespmem:s15], [sflag:$0x1] =	stream.indirect_vreg.gather [hbm4b:s2+s10], $0x1, v3, vm0, $0x4038;
	[tilespmem:$0x900] =	vst v63  }
0x1e: {  	v3 =	vnsel vm1, $0x7FFFFFFF, v60;
	(ifvalue) =	ssetifvalue $0x7FFFFFFF  }
0x1f: {  	s24 =	sadd.s32 $0x100, s23;
	(ifvalue) =	ssetifvalue $0x7FFFFFFF  }
0x20: {  	v61 =	vor.u32 $0x200, v1;
	[tilespmem:s24], [sflag:$0x1] =	stream.indirect_vreg.gather [hbm4b:s2+s10], $0x1, v2, vm0, $0x4038;
	[tilespmem:$0x900] =	vst v63  }
0x21: {  	(ifvalue) =	ssetifvalue $0x7FFFFFFF;
	v2 =	vnsel vm1, $0x7FFFFFFF, v61  }
0x22: {  	s25 =	sadd.s32 $0x180, s23;
	(ifvalue) =	ssetifvalue $0x7FFFFFFF  }
0x23: {  	v62 =	vor.u32 $0x280, v1;
	[tilespmem:s25], [sflag:$0x1] =	stream.indirect_vreg.gather [hbm4b:s2+s10], $0x1, v3, vm0, $0x4038;
	[tilespmem:$0x900] =	vst v63  }
0x24: {  	v3 =	vnsel vm1, $0x7FFFFFFF, v62;
	(ifvalue) =	ssetifvalue $0x7FFFFFFF  }
0x25: {  	s26 =	sadd.s32 $0x200, s23;
	(ifvalue) =	ssetifvalue $0x7FFFFFFF  }
0x26: {  	v63 =	vor.u32 $0x300, v1;
	[tilespmem:s26], [sflag:$0x1] =	stream.indirect_vreg.gather [hbm4b:s2+s10], $0x1, v2, vm0, $0x4038;
	[tilespmem:$0x900] =	vst v63  }
0x27: {  	(ifvalue) =	ssetifvalue $0x7FFFFFFF;
	v2 =	vnsel vm1, $0x7FFFFFFF, v63  }
0x28: {  	s28 =	sadd.s32 $0x280, s23;
	(ifvalue) =	ssetifvalue $0x7FFFFFFF  }
0x29: {  	v1 =	vor.u32 $0x380, v1;
	[tilespmem:s28], [sflag:$0x1] =	stream.indirect_vreg.gather [hbm4b:s2+s10], $0x1, v3, vm0, $0x4038;
	[tilespmem:$0x900] =	vst v63  }
0x2a: {  	v1 =	vnsel vm1, $0x7FFFFFFF, v1;
	(ifvalue) =	ssetifvalue $0x7FFFFFFF  }
0x2b: {  	s29 =	sadd.s32 $0x300, s23;
	(ifvalue) =	ssetifvalue $0x7FFFFFFF  }
0x2c: {  	[tilespmem:s29], [sflag:$0x1] =	stream.indirect_vreg.gather [hbm4b:s2+s10], $0x1, v2, vm0, $0x4038;
	[tilespmem:$0x900] =	vst v63  }
0x2d: {  	(ifvalue) =	ssetifvalue $0x7FFFFFFF  }
0x2e: {  	s30 =	sshll.u32 s12, $0x3;
	s14 =	sadd.s32 $0x380, s23;
	(ifvalue) =	ssetifvalue $0x7FFFFFFF  }
0x2f: {  	[tilespmem:s14], [sflag:$0x1] =	stream.indirect_vreg.gather [hbm4b:s2+s10], $0x1, v1, vm0, $0x4038;
	[tilespmem:$0x900] =	vst v63  }
0x30: {  	s31 =	sand.u32 $0x78, s12;
	s14 =	sand.u32 $0x7FFFFC00, s30  }
0x31: {  	_ =	swait.ge [sflag:s4], $0x400;
	s12 =	sor.u32 s31, s14  }
0x32: {  	[sflag:s4] =	ssyncset.done $0x0;
	s12 =	sshrl.u32 s12, $0x3  }
0x33: {  	[sflag:s4] =	ssyncadd.s32 $0xFFFFFC00;
	s12 =	sadd.s32 s6, s12  }
0x34: {  	[hbm:s12] =	stream.linear.scatter [tilespmem:s13], [sflag:$0x3], $0x400, $0x38;
	[tilespmem:$0x900] =	vst v63  }
.LBB2_5:
0x35: {  	p1 =	slt.u32 s11, $0x2;
	s11 =	sadd.s32 $0x1, s11  }
0x36: {  	p2 =	sne.s32 s11, s7  }
.Ltmp1:
0x37: {  	_ = 	snop;
	(pc) =	sbr.rel @!p2 .LBB2_6-.Ltmp1, $4  }
0x38: {  	s12 =	simm.s32 @!p1 $0x3  }
0x39: {  	_ =	swait.ge @!p1 [sflag:s12], $0x400  }
0x3a: {  	[sflag:s12] =	ssyncset.done @!p1 $0x0  }
0x3b: {  	p0 =	por !p0, !p0;
	[sflag:s12] =	ssyncadd.s32 @!p1 $0xFFFFFC00;
	s12 =	smov.u32 s3  }
.LBB2_1:
0x3c: {  	p1 =	sge.u32 s11, s8  }
0x3d: {  	s31 =	sadd.s32 $0xFFFFFFFF, s11;
	s13 =	simm.s32 @!p1 $0x0;
	s14 =	simm.s32 @!p1 $0x80  }
0x3e: {  	[tilespmem:s14], [sflag:$0x2] =	stream.linear.gather @!p1 [hbm4b:s9+s13], $0x80, $0x38;
	[tilespmem:$0x900] =	vst v63  }
0x3f: {  	p1 =	sge.u32 s31, s8  }
.Ltmp2:
0x40: {  	_ = 	snop;
	(pc) =	sbr.rel @p1 .LBB2_5-.Ltmp2, $1  }
0x41: {  	_ =	sdelay $0x3  }
0x42: {  	s13 =	simm.s32 $0x1  }
0x43: {  	_ =	swait.ge [sflag:s5], $0x80;
	s13 =	simm.s32 @!p0 $0x0  }
0x44: {  	[sflag:s5] =	ssyncset.done $0x0;
	s14 =	sshll.u32 s13, $0x7  }
0x45: {  	[sflag:s5] =	ssyncadd.s32 $0xFFFFFF80;
	s15 =	sadd.s32 $0x0, s14  }
0x46: {  	v1 =	vld.msk [tilespmem:s15+$0x0 ss:$0x1], $0xffff;
	_ =	sdelay $0x2  }
0x47: {  	s17 =	ssub.s32 $0xDA3, s12  }
0x48: {  	p1 =	slt.s32 s17, $0x80  }
0x49: {  	s17 =	simm.s32 @!p1 $0x80;
	vm1 =	vgt.s32 v1, $0x0  }
0x4a: {  	p1 =	sgt.s32 s17, $0x0;
	s15 =	smov.u32 s17;
	v1 =	vnsel vm1, $0x0, v1  }
0x4b: {  	s15 =	simm.s32 @!p1 $0x0;
	v1 =	vmin.u32 v1, $0x553FF  }
0x4c: {  	s15 =	smin.u32 s15, $0x10;
	v2 =	vshll.u32 v1, $0x3  }
0x4d: {  	v3 =	vmov s15;
	v1 =	vand.u32 $0x7F, v1;
	v2 =	vand.u32 $0x3FFC00, v2  }
0x4e: {  	vm1 =	vgt.u32 v3, v0;
	v1 =	vor.u32 v1, v2  }
0x4f: {  	v2 =	vnsel vm1, $0x7FFFFFFF, v1;
	_ =	sdelay $0x1  }
0x50: {  	s13 =	sshll.u32 s13, $0xA;
	v3 =	vor.u32 $0x80, v1  }
0x51: {  	(ifvalue) =	ssetifvalue $0x7FFFFFFF;
	s15 =	sor.u32 $0x100, s13;
	v3 =	vnsel vm1, $0x7FFFFFFF, v3  }
0x52: {  	(ifvalue) =	ssetifvalue $0x7FFFFFFF;
	s18 =	sadd.s32 $0x0, s15  }
0x53: {  	v4 =	vor.u32 $0x100, v1;
	[tilespmem:s18], [sflag:$0x1] =	stream.indirect_vreg.gather [hbm4b:s2+s10], $0x1, v2, vm0, $0x4038;
	[tilespmem:$0x900] =	vst v63  }
0x54: {  	(ifvalue) =	ssetifvalue $0x7FFFFFFF;
	v2 =	vnsel vm1, $0x7FFFFFFF, v4  }
0x55: {  	s25 =	sadd.s32 $0x80, s18;
	(ifvalue) =	ssetifvalue $0x7FFFFFFF  }
0x56: {  	v60 =	vor.u32 $0x180, v1;
	[tilespmem:s25], [sflag:$0x1] =	stream.indirect_vreg.gather [hbm4b:s2+s10], $0x1, v3, vm0, $0x4038;
	[tilespmem:$0x900] =	vst v63  }
0x57: {  	v3 =	vnsel vm1, $0x7FFFFFFF, v60;
	(ifvalue) =	ssetifvalue $0x7FFFFFFF  }
0x58: {  	s26 =	sadd.s32 $0x100, s18;
	(ifvalue) =	ssetifvalue $0x7FFFFFFF  }
0x59: {  	v61 =	vor.u32 $0x200, v1;
	[tilespmem:s26], [sflag:$0x1] =	stream.indirect_vreg.gather [hbm4b:s2+s10], $0x1, v2, vm0, $0x4038;
	[tilespmem:$0x900] =	vst v63  }
0x5a: {  	(ifvalue) =	ssetifvalue $0x7FFFFFFF;
	v2 =	vnsel vm1, $0x7FFFFFFF, v61  }
0x5b: {  	s28 =	sadd.s32 $0x180, s18;
	(ifvalue) =	ssetifvalue $0x7FFFFFFF  }
0x5c: {  	v62 =	vor.u32 $0x280, v1;
	[tilespmem:s28], [sflag:$0x1] =	stream.indirect_vreg.gather [hbm4b:s2+s10], $0x1, v3, vm0, $0x4038;
	[tilespmem:$0x900] =	vst v63  }
0x5d: {  	v3 =	vnsel vm1, $0x7FFFFFFF, v62;
	(ifvalue) =	ssetifvalue $0x7FFFFFFF  }
0x5e: {  	s29 =	sadd.s32 $0x200, s18;
	(ifvalue) =	ssetifvalue $0x7FFFFFFF  }
0x5f: {  	v63 =	vor.u32 $0x300, v1;
	[tilespmem:s29], [sflag:$0x1] =	stream.indirect_vreg.gather [hbm4b:s2+s10], $0x1, v2, vm0, $0x4038;
	[tilespmem:$0x900] =	vst v63  }
0x60: {  	(ifvalue) =	ssetifvalue $0x7FFFFFFF;
	v2 =	vnsel vm1, $0x7FFFFFFF, v63  }
0x61: {  	s16 =	sadd.s32 $0x280, s18;
	(ifvalue) =	ssetifvalue $0x7FFFFFFF  }
0x62: {  	v1 =	vor.u32 $0x380, v1;
	[tilespmem:s16], [sflag:$0x1] =	stream.indirect_vreg.gather [hbm4b:s2+s10], $0x1, v3, vm0, $0x4038;
	[tilespmem:$0x900] =	vst v63  }
0x63: {  	s30 =	sand.u32 $0x1, s11;
	s19 =	simm.s32 $0x80;
	v1 =	vnsel vm1, $0x7FFFFFFF, v1;
	(ifvalue) =	ssetifvalue $0x7FFFFFFF  }
0x64: {  	s13 =	sshll.u32 s30, $0xA;
	s31 =	sadd.s32 $0x300, s18;
	(ifvalue) =	ssetifvalue $0x7FFFFFFF  }
0x65: {  	[tilespmem:s31], [sflag:$0x1] =	stream.indirect_vreg.gather [hbm4b:s2+s10], $0x1, v2, vm0, $0x4038;
	[tilespmem:$0x900] =	vst v63  }
0x66: {  	s17 =	sadd.s32 $0xFFFFFFF0, s17;
	s13 =	sor.u32 $0x100, s13;
	(ifvalue) =	ssetifvalue $0x7FFFFFFF  }
0x67: {  	s20 =	sadd.s32 $0x380, s18;
	s16 =	simm.s32 $0x10;
	(ifvalue) =	ssetifvalue $0x7FFFFFFF  }
.LBB2_3:
0x68: {  	[tilespmem:s20], [sflag:$0x1] =	stream.indirect_vreg.gather [hbm4b:s2+s10], $0x1, v1, vm0, $0x4038;
	[tilespmem:$0x900] =	vst v63  }
0x69: {  	s18 =	smov.u32 s19  }
0x6a: {  	s21 =	sadd.s32 s16, s14;
	s20 =	sshra.s32 s18, $0x2;
	s18 =	sadd.s32 $0x40, s19  }
0x6b: {  	p1 =	sne.s32 s19, $0x1C0;
	v1 =	vld.msk [tilespmem:s21+$0x0 ss:$0x1], $0xffff  }
0x6c: {  	(ifvalue) =	ssetifvalue $0x7FFFFFFF;
	_ =	sdelay $0x4  }
0x6d: {  	vm1 =	vgt.s32 v1, $0x0  }
0x6e: {  	p2 =	sgt.s32 s17, $0x0;
	s19 =	smov.u32 s17;
	v1 =	vnsel vm1, $0x0, v1  }
0x6f: {  	s19 =	simm.s32 @!p2 $0x0;
	v1 =	vmin.u32 v1, $0x553FF  }
0x70: {  	s19 =	smin.u32 s19, $0x10;
	v2 =	vshll.u32 v1, $0x3  }
0x71: {  	v3 =	vmov s19;
	v1 =	vand.u32 $0x7F, v1;
	v2 =	vand.u32 $0x3FFC00, v2  }
0x72: {  	vm1 =	vgt.u32 v3, v0;
	v1 =	vor.u32 v1, v2  }
0x73: {  	v2 =	vnsel vm1, $0x7FFFFFFF, v1;
	v3 =	vor.u32 $0x80, v1;
	v4 =	vor.u32 $0x100, v1  }
0x74: {  	v5 =	vor.u32 $0x180, v1;
	v6 =	vor.u32 $0x200, v1;
	v7 =	vor.u32 $0x280, v1  }
0x75: {  	v8 =	vor.u32 $0x300, v1;
	v1 =	vor.u32 $0x380, v1  }
0x76: {  	v3 =	vnsel vm1, $0x7FFFFFFF, v3  }
0x77: {  	s19 =	sadd.s32 s16, s15;
	s16 =	smov.u32 s20;
	(ifvalue) =	ssetifvalue $0x7FFFFFFF  }
0x78: {  	[tilespmem:s19], [sflag:$0x1] =	stream.indirect_vreg.gather [hbm4b:s2+s10], $0x1, v2, vm0, $0x4038;
	[tilespmem:$0x900] =	vst v63  }
0x79: {  	v2 =	vnsel vm1, $0x7FFFFFFF, v4;
	(ifvalue) =	ssetifvalue $0x7FFFFFFF  }
0x7a: {  	s20 =	sadd.s32 $0x80, s19;
	(ifvalue) =	ssetifvalue $0x7FFFFFFF  }
0x7b: {  	[tilespmem:s20], [sflag:$0x1] =	stream.indirect_vreg.gather [hbm4b:s2+s10], $0x1, v3, vm0, $0x4038;
	[tilespmem:$0x900] =	vst v63  }
0x7c: {  	v3 =	vnsel vm1, $0x7FFFFFFF, v5;
	(ifvalue) =	ssetifvalue $0x7FFFFFFF  }
0x7d: {  	s20 =	sadd.s32 $0x100, s19;
	(ifvalue) =	ssetifvalue $0x7FFFFFFF  }
0x7e: {  	[tilespmem:s20], [sflag:$0x1] =	stream.indirect_vreg.gather [hbm4b:s2+s10], $0x1, v2, vm0, $0x4038;
	[tilespmem:$0x900] =	vst v63  }
0x7f: {  	v2 =	vnsel vm1, $0x7FFFFFFF, v6;
	(ifvalue) =	ssetifvalue $0x7FFFFFFF  }
0x80: {  	s20 =	sadd.s32 $0x180, s19;
	(ifvalue) =	ssetifvalue $0x7FFFFFFF  }
0x81: {  	[tilespmem:s20], [sflag:$0x1] =	stream.indirect_vreg.gather [hbm4b:s2+s10], $0x1, v3, vm0, $0x4038;
	[tilespmem:$0x900] =	vst v63  }
0x82: {  	v3 =	vnsel vm1, $0x7FFFFFFF, v7;
	(ifvalue) =	ssetifvalue $0x7FFFFFFF  }
0x83: {  	s20 =	sadd.s32 $0x200, s19;
	(ifvalue) =	ssetifvalue $0x7FFFFFFF  }
0x84: {  	[tilespmem:s20], [sflag:$0x1] =	stream.indirect_vreg.gather [hbm4b:s2+s10], $0x1, v2, vm0, $0x4038;
	[tilespmem:$0x900] =	vst v63  }
0x85: {  	v2 =	vnsel vm1, $0x7FFFFFFF, v8;
	(ifvalue) =	ssetifvalue $0x7FFFFFFF  }
0x86: {  	s20 =	sadd.s32 $0x280, s19;
	(ifvalue) =	ssetifvalue $0x7FFFFFFF  }
0x87: {  	[tilespmem:s20], [sflag:$0x1] =	stream.indirect_vreg.gather [hbm4b:s2+s10], $0x1, v3, vm0, $0x4038;
	[tilespmem:$0x900] =	vst v63  }
.Ltmp3:
0x88: {  	v1 =	vnsel vm1, $0x7FFFFFFF, v1;
	(ifvalue) =	ssetifvalue $0x7FFFFFFF;
	(pc) =	sbr.rel @p1 .LBB2_3-.Ltmp3, $4  }
0x89: {  	s20 =	sadd.s32 $0x300, s19;
	(ifvalue) =	ssetifvalue $0x7FFFFFFF  }
0x8a: {  	[tilespmem:s20], [sflag:$0x1] =	stream.indirect_vreg.gather [hbm4b:s2+s10], $0x1, v2, vm0, $0x4038;
	[tilespmem:$0x900] =	vst v63  }
0x8b: {  	s17 =	sadd.s32 $0xFFFFFFF0, s17;
	(ifvalue) =	ssetifvalue $0x7FFFFFFF  }
0x8c: {  	s20 =	sadd.s32 $0x380, s19;
	s19 =	smov.u32 s18;
	(ifvalue) =	ssetifvalue $0x7FFFFFFF  }
.Ltmp4:
0x8d: {  	_ = 	snop;
	(pc) =	sbr.rel .LBB2_4-.Ltmp4, $1  }
0x8e: {  	_ =	sdelay $0x3  }
.LBB2_6:
0x8f: {  	_ =	sfence.sel $0x180000  }
0x90: {  	s2 =	simm.s32 $0x2;
	[bflag:$0x0] =	sbarrier.arrive $0xFFFF  }
0x91: {  	s30 =	simm.s32 $0x3;
	[sflag:s2] =	ssyncpa.u1 $0x1  }
0x92: {  	s31 =	simm.s32 $0x1;
	[sflag:s30] =	ssyncpa.u1 $0x1  }
0x93: {  	[sflag:s31] =	ssyncpa.u1 $0x1  }
0x94: {  	p0 =	sne.s32 s0, $0x0;
	_ =	strace $0x90000047  }
0x95: {  	s0 =	sadd.s32 @!p0 $0x100000, s1;
	[bflag:$0x2] =	sbarrier.arrive $0xFFFF  }
0x96: {  	[sflag:s0] =	ssyncadd.tile.s32 @!p0 $0x1;
	_ =	shalt  }
.Lfunc_end2:
_tile_overlayer_lowered:
.L_overlay_start_2:
0x97: {  	(tag) =	ssettag $0x2  }
0x98: {  	s0 =	rddreg [dreg:$0x0];
	s2 =	stileid.u32  }
0x99: {  	s1 =	rddreg [dreg:$0x1];
	p0 =	sne.s32 s2, $0x0  }
0x9a: {  	s3 =	rddreg [dreg:$0x2];
	[bflag:$0x3] =	sbarrier.arrive $0xFFFF;
	s2 =	simm.s32 @!p0 $0x1C01  }
0x9b: {  	[timem:s3], [sflag:s2] =	dma.local @!p0 [hbm:s0], s1  }
0x9c: {  	s0 =	simm.s32 @!p0 $0x1  }
0x9d: {  	_ =	swait.ge @!p0 [sflag:s0], s1  }
0x9e: {  	s1 =	ssub.s32 @!p0 $0x0, s1;
	[sflag:s0] =	ssyncset.done @!p0 $0x0  }
0x9f: {  	[sflag:s0] =	ssyncadd.s32 @!p0 s1  }
0xa0: {  	[bflag:$0x3] =	sbarrier.arrive $0xFFFF  }
0xa1: {  	_ =	shalt  }

</sc_bundles>
